<compile_context>
chip_gen: v7x
topology: tpu7x:2x2x1
jax: 0.10.2.dev20260603
libtpu: 0.0.44.dev20260713+nightly
codegen_flags: <defaults>
</compile_context>

<pallas_src>
import functools

import jax
import jax.numpy as jnp
from jax import lax
from jax.experimental import pallas as pl
from jax.experimental.pallas import tpu as pltpu
from jax.experimental.pallas import tpu_sc as plsc

_NUM_CLASSES = 21
_THRESHOLD = 0.5
_NEGPOS_RATIO = 3
_V0 = 0.1
_V1 = 0.2
_P = 8732
_P_PAD = 8960
_B = 32
_O = 10


def _smooth_l1(d):
  a = jnp.abs(d)
  return jnp.where(a < 1.0, 0.5 * d * d, a - 0.5)


def _mbox_kernel(conf_ref, loc_ref, priors_ref, targets_ref,
                 out_ref, masked_ref, kf_ref):
  b = pl.program_id(0)

  f32 = jnp.float32
  i32 = jnp.int32

  lane_p = lax.broadcasted_iota(i32, (1, _P_PAD), 1)
  pad = lane_p >= _P

  t = targets_ref[0]
  tx1 = t[:, 0:1]
  ty1 = t[:, 1:2]
  tx2 = t[:, 2:3]
  ty2 = t[:, 3:4]
  tlab = t[:, 4:5]

  pcx = priors_ref[0:1, :]
  pcy = priors_ref[1:2, :]
  pw = priors_ref[2:3, :]
  ph = priors_ref[3:4, :]
  px1 = pcx - pw * 0.5
  py1 = pcy - ph * 0.5
  px2 = pcx + pw * 0.5
  py2 = pcy + ph * 0.5

  iw = jnp.maximum(jnp.minimum(tx2, px2) - jnp.maximum(tx1, px1), 0.0)
  ih = jnp.maximum(jnp.minimum(ty2, py2) - jnp.maximum(ty1, py1), 0.0)
  inter = iw * ih
  area_t = (tx2 - tx1) * (ty2 - ty1)
  area_p = (px2 - px1) * (py2 - py1)
  iou = inter / (area_t + area_p - inter)
  iou = jnp.where(jnp.broadcast_to(pad, iou.shape), -1.0, iou)

  row10 = lax.broadcasted_iota(i32, (_O, _P_PAD), 0)
  lane10 = lax.broadcasted_iota(i32, (_O, _P_PAD), 1)

  bt_ov = jnp.max(iou, axis=0, keepdims=True)
  bt_idx = jnp.min(
      jnp.where(iou == bt_ov, row10, _O), axis=0, keepdims=True)

  bp_ov = jnp.max(iou, axis=1, keepdims=True)
  bp_idx = jnp.min(
      jnp.where(iou == bp_ov, lane10, _P_PAD), axis=1, keepdims=True)

  is_best = lane10 == bp_idx
  winner = jnp.max(jnp.where(is_best, row10, -1), axis=0, keepdims=True)
  bt_ov = jnp.where(winner >= 0, 2.0, bt_ov)
  bt_idx = jnp.where(winner >= 0, winner, bt_idx)

  onehot = (bt_idx == row10).astype(f32)
  matched = lax.dot_general(t, onehot, (((0,), (0,)), ((), ())),
                            preferred_element_type=f32)
  mx1 = matched[0:1, :]
  my1 = matched[1:2, :]
  mx2 = matched[2:3, :]
  my2 = matched[3:4, :]
  mlab = jnp.floor(matched[4:5, :] + 0.5)

  posm = bt_ov >= _THRESHOLD
  conf_t = jnp.where(posm, mlab + 1.0, 0.0)
  posf = posm.astype(f32)

  g_cx = ((mx1 + mx2) * 0.5 - pcx) / (_V0 * pw)
  g_cy = ((my1 + my2) * 0.5 - pcy) / (_V0 * ph)
  g_w = jnp.log((mx2 - mx1) / pw) / _V1
  g_h = jnp.log((my2 - my1) / ph) / _V1

  l = loc_ref[0]
  sl1 = (_smooth_l1(l[0:1, :] - g_cx) + _smooth_l1(l[1:2, :] - g_cy) +
         _smooth_l1(l[2:3, :] - g_w) + _smooth_l1(l[3:4, :] - g_h))
  loss_l_b = jnp.sum(sl1 * posf)

  conf = conf_ref[0]
  cmax = jnp.max(conf, axis=0, keepdims=True)
  expc = jnp.exp(conf - cmax)
  ones21 = jnp.ones((1, _NUM_CLASSES), f32)
  ssum = lax.dot_general(ones21, expc, (((1,), (0,)), ((), ())),
                         preferred_element_type=f32)
  lse = jnp.log(ssum) + cmax

  cls_iota = lax.broadcasted_iota(i32, (_NUM_CLASSES, _P_PAD), 0)
  conf_t_i = conf_t.astype(i32)
  gathered = jnp.sum(
      jnp.where(cls_iota == conf_t_i, conf, 0.0), axis=0, keepdims=True)
  ce = lse - gathered

  ce_pos_sum = jnp.sum(jnp.where(posm, ce, 0.0))
  num_pos_f = jnp.sum(posf)
  k_f = jnp.minimum(_NEGPOS_RATIO * num_pos_f, float(_P - 1))

  masked = jnp.maximum(jnp.where(posm | pad, 0.0, ce), 0.0)
  masked_ref[0] = masked
  kf_ref[0] = jnp.broadcast_to(k_f, (1, 128))

  lane_o = lax.broadcasted_iota(i32, (8, 128), 1)
  contrib = jnp.where(
      lane_o == 0, loss_l_b,
      jnp.where(lane_o == 1, ce_pos_sum,
                jnp.where(lane_o == 2, num_pos_f, 0.0)))

  @pl.when(b == 0)
  def _init():
    out_ref[...] = contrib

  @pl.when(b > 0)
  def _acc():
    out_ref[...] += contrib


def _sc_mine_body(masked_hbm, kf_hbm, out_hbm, mrow, kfrow, outv, nc):
  f32 = jnp.float32
  i32 = jnp.int32
  wid = lax.axis_index("s") * nc + lax.axis_index("c")

  pltpu.sync_copy(masked_hbm.at[wid], mrow)
  pltpu.sync_copy(kf_hbm.at[wid], kfrow)
  k = jnp.max(kfrow[pl.ds(0, 16)])

  unroll = 16
  n_outer = _P_PAD // (16 * unroll)

  def pre_body(j, hm):
    base = pl.multiple_of(j * (16 * unroll), 16 * unroll)
    for u in range(unroll):
      hm = jnp.maximum(hm, mrow[pl.ds(base + u * 16, 16)])
    return hm

  hmax = lax.fori_loop(0, n_outer, pre_body, jnp.zeros((16,), f32))
  hi0 = jnp.max(plsc.bitcast(hmax, i32))
  lo0 = jnp.zeros((), i32)

  def bs_body(_, carry):
    lo, hi = carry
    mid = lo + lax.shift_right_logical(hi - lo + 1, 1)
    mid_f = plsc.bitcast(jnp.broadcast_to(mid, (16,)), f32)

    def cnt_body(j, acc):
      base = pl.multiple_of(j * (16 * unroll), 16 * unroll)
      for u in range(unroll):
        acc = acc + jnp.where(mrow[pl.ds(base + u * 16, 16)] >= mid_f,
                              1.0, 0.0)
      return acc

    acc = lax.fori_loop(0, n_outer, cnt_body, jnp.zeros((16,), f32))
    take = jnp.sum(acc) >= k
    return (jnp.where(take, mid, lo), jnp.where(take, hi, mid - 1))

  lo_fin, _ = lax.fori_loop(0, 31, bs_body, (lo0, hi0))
  lo_f = plsc.bitcast(jnp.broadcast_to(lo_fin, (16,)), f32)

  def fin_body(j, carry):
    sg, cg, tv = carry
    base = pl.multiple_of(j * (16 * unroll), 16 * unroll)
    for u in range(unroll):
      v = mrow[pl.ds(base + u * 16, 16)]
      gt = v > lo_f
      sg = sg + jnp.where(gt, v, 0.0)
      cg = cg + jnp.where(gt, 1.0, 0.0)
      tv = jnp.maximum(tv, jnp.where(gt, 0.0, v))
    return sg, cg, tv

  z = jnp.zeros((16,), f32)
  sg, cg, tv = lax.fori_loop(0, n_outer, fin_body, (z, z, z))
  topk = jnp.sum(sg) + (k - jnp.sum(cg)) * jnp.max(tv)

  outv[...] = jnp.broadcast_to(topk, (16,))
  pltpu.sync_copy(outv, out_hbm.at[wid])


@jax.jit
def kernel(loc_data, conf_data, priors, targets):
  batch = loc_data.shape[0]
  pad_n = _P_PAD - _P

  conf_t_in = jnp.pad(jnp.transpose(conf_data, (0, 2, 1)),
                      ((0, 0), (0, 0), (0, pad_n)))
  loc_t_in = jnp.pad(jnp.transpose(loc_data, (0, 2, 1)),
                     ((0, 0), (0, 0), (0, pad_n)))
  pad_priors = jnp.broadcast_to(
      jnp.array([[10.0, 10.0, 0.1, 0.1]], jnp.float32), (pad_n, 4))
  priors_in = jnp.transpose(jnp.concatenate([priors, pad_priors], axis=0))

  stats, masked3d, kf3d = pl.pallas_call(
      _mbox_kernel,
      grid=(batch,),
      in_specs=[
          pl.BlockSpec((1, _NUM_CLASSES, _P_PAD), lambda b: (b, 0, 0)),
          pl.BlockSpec((1, 4, _P_PAD), lambda b: (b, 0, 0)),
          pl.BlockSpec((4, _P_PAD), lambda b: (0, 0)),
          pl.BlockSpec((1, _O, 5), lambda b: (b, 0, 0)),
      ],
      out_specs=[
          pl.BlockSpec((8, 128), lambda b: (0, 0)),
          pl.BlockSpec((1, 1, _P_PAD), lambda b: (b, 0, 0)),
          pl.BlockSpec((1, 1, 128), lambda b: (b, 0, 0)),
      ],
      out_shape=[
          jax.ShapeDtypeStruct((8, 128), jnp.float32),
          jax.ShapeDtypeStruct((_B, 1, _P_PAD), jnp.float32),
          jax.ShapeDtypeStruct((_B, 1, 128), jnp.float32),
      ],
      compiler_params=pltpu.CompilerParams(
          dimension_semantics=("arbitrary",)),
  )(conf_t_in, loc_t_in, priors_in, targets)

  info = plsc.get_sparse_core_info()
  nc = info.num_cores
  mesh = plsc.VectorSubcoreMesh(core_axis_name="c", subcore_axis_name="s")

  sc_mine = functools.partial(
      pl.kernel,
      out_type=jax.ShapeDtypeStruct((_B, 16), jnp.float32),
      mesh=mesh,
      scratch_types=[
          pltpu.VMEM((_P_PAD,), jnp.float32),
          pltpu.VMEM((128,), jnp.float32),
          pltpu.VMEM((16,), jnp.float32),
      ],
      compiler_params=pltpu.CompilerParams(needs_layout_passes=False),
  )(functools.partial(_sc_mine_body, nc=nc))

  topk_rows = sc_mine(masked3d.reshape(_B, _P_PAD),
                      kf3d.reshape(_B, 128))

  loss_l = stats[0, 0]
  loss_c = stats[0, 1] + jnp.sum(topk_rows[:, 0])
  n = stats[0, 2]
  n = jnp.where(n == 0.0, jnp.float32(batch), n)
  return (loss_l / n, loss_c / n)

# --- scband reference (transcript-rebuilt; emitter-appended) ---
"""Pipeline reference for scband-multi-box-loss-83004537962649 (READ-ONLY COPY).

The authoritative reference and input builder live on the scoring server;
editing this copy changes nothing except your own understanding.
"""

import jax, jax.numpy as jnp
import numpy as np

NUM_CLASSES = 21
THRESHOLD = 0.5
NEGPOS_RATIO = 3
VARIANCES = (0.1, 0.2)


def point_form(boxes):
    return jnp.concatenate([boxes[:, :2] - boxes[:, 2:] / 2.0,
                            boxes[:, :2] + boxes[:, 2:] / 2.0], axis=1)


def intersect(box_a, box_b):
    max_xy = jnp.minimum(box_a[:, None, 2:], box_b[None, :, 2:])
    min_xy = jnp.maximum(box_a[:, None, :2], box_b[None, :, :2])
    inter = jnp.clip(max_xy - min_xy, 0.0, None)
    return inter[..., 0] * inter[..., 1]


def jaccard(box_a, box_b):
    inter = intersect(box_a, box_b)
    area_a = ((box_a[:, 2] - box_a[:, 0]) * (box_a[:, 3] - box_a[:, 1]))[:, None]
    area_b = ((box_b[:, 2] - box_b[:, 0]) * (box_b[:, 3] - box_b[:, 1]))[None, :]
    return inter / (area_a + area_b - inter)


def encode(matched, priors, variances):
    g_cxcy = (matched[:, :2] + matched[:, 2:]) / 2.0 - priors[:, :2]
    g_cxcy = g_cxcy / (variances[0] * priors[:, 2:])
    g_wh = (matched[:, 2:] - matched[:, :2]) / priors[:, 2:]
    g_wh = jnp.log(g_wh) / variances[1]
    return jnp.concatenate([g_cxcy, g_wh], axis=1)


def log_sum_exp(x):
    x_max = jnp.max(x)
    return jnp.log(jnp.sum(jnp.exp(x - x_max), axis=1, keepdims=True)) + x_max


def match_one(tgt, priors, priors_pt):
    truths = tgt[:, :4]
    labels = tgt[:, 4]
    overlaps = jaccard(truths, priors_pt)  # [num_obj, num_priors]
    best_prior_idx = jnp.argmax(overlaps, axis=1)     # [num_obj]
    best_truth_overlap = jnp.max(overlaps, axis=0)    # [num_priors]
    best_truth_idx = jnp.argmax(overlaps, axis=0)     # [num_priors]
    # ensure every gt matches its best prior (bipartite step)
    best_truth_overlap = best_truth_overlap.at[best_prior_idx].set(2.0)
    best_truth_idx = best_truth_idx.at[best_prior_idx].set(jnp.arange(truths.shape[0]))
    matches = truths[best_truth_idx]
    conf = (labels[best_truth_idx] + 1.0).astype(jnp.int32)
    conf = jnp.where(best_truth_overlap < THRESHOLD, 0, conf)
    loc = encode(matches, priors, VARIANCES)
    return loc, conf


def setup_inputs(seed: int = 0) -> dict:
    key = jax.random.key(seed)
    k1, k2, k3, k4, k5, k6, k7 = jax.random.split(key, 7)
    B, P, C, O = 32, 8732, NUM_CLASSES, 10
    loc_data = jax.random.normal(k1, (B, P, 4), dtype=jnp.float32)
    conf_data = jax.random.normal(k2, (B, P, C), dtype=jnp.float32)
    cxcy = jax.random.uniform(k3, (P, 2), minval=0.05, maxval=0.95)
    wh = jax.random.uniform(k4, (P, 2), minval=0.05, maxval=0.5)
    priors = jnp.concatenate([cxcy, wh], axis=1).astype(jnp.float32)
    t_c = jax.random.uniform(k5, (B, O, 2), minval=0.15, maxval=0.85)
    t_wh = jax.random.uniform(k6, (B, O, 2), minval=0.05, maxval=0.3)
    tmin = t_c - t_wh / 2.0
    tmax = t_c + t_wh / 2.0
    labels = jax.random.randint(k7, (B, O, 1), 0, C - 1).astype(jnp.float32)
    targets = jnp.concatenate([tmin, tmax, labels], axis=2).astype(jnp.float32)
    return {"loc_data": loc_data, "conf_data": conf_data, "priors": priors, "targets": targets}


def reference(loc_data, conf_data, priors, targets):
    batch, num_priors, _ = loc_data.shape
    priors_pt = point_form(priors)

    loc_t, conf_t = jax.vmap(lambda t: match_one(t, priors, priors_pt))(targets)
    loc_t = jax.lax.stop_gradient(loc_t)
    conf_t = jax.lax.stop_gradient(conf_t)

    pos = conf_t > 0  # [B, P]

    # localization loss: smooth L1 over positive priors, sum reduction
    diff = loc_data - loc_t
    abs_d = jnp.abs(diff)
    sl1 = jnp.where(abs_d < 1.0, 0.5 * diff * diff, abs_d - 0.5)
    loss_l = jnp.sum(sl1 * pos[..., None].astype(sl1.dtype))

    # hard negative mining
    batch_conf = conf_data.reshape(-1, NUM_CLASSES)
    lse = log_sum_exp(batch_conf)
    gathered = jnp.take_along_axis(batch_conf, conf_t.reshape(-1, 1), axis=1)
    loss_c_all = (lse - gathered).reshape(batch, num_priors)
    loss_c_all = jnp.where(pos, 0.0, loss_c_all)
    loss_idx = jnp.argsort(-loss_c_all, axis=1)
    idx_rank = jnp.argsort(loss_idx, axis=1)
    num_pos = jnp.sum(pos.astype(jnp.int32), axis=1, keepdims=True)
    num_neg = jnp.minimum(NEGPOS_RATIO * num_pos, num_priors - 1)
    neg = idx_rank < num_neg
    mask = jnp.logical_or(pos, neg)

    # confidence loss: cross-entropy over pos + hard-neg priors, sum reduction
    row_lse = jax.scipy.special.logsumexp(conf_data, axis=2)
    row_gather = jnp.take_along_axis(conf_data, conf_t[..., None], axis=2)[..., 0]
    ce = row_lse - row_gather
    loss_c = jnp.sum(ce * mask.astype(ce.dtype))

    N = jnp.sum(num_pos).astype(jnp.float32)
    N = jnp.where(N == 0, jnp.float32(batch), N)
    return (loss_l / N, loss_c / N)

if __name__ == "__main__":
    import jax
    _d = setup_inputs()
    print(jax.jit(kernel)(*tuple(_d.values())))

</pallas_src>

<mosaic_0001>
#map = affine_map<(d0, d1) -> (0, 0)>
module attributes {stable_mosaic.version = 14 : i64} {
  func.func @_sc_mine_body(%arg0: i32, %arg1: i32, %arg2: memref<32x8960xf32, #tpu.memory_space<hbm>>, %arg3: memref<32x128xf32, #tpu.memory_space<hbm>>, %arg4: memref<32x16xf32, #tpu.memory_space<hbm>>, %arg5: memref<8960xf32, #tpu.memory_space<vmem>>, %arg6: memref<128xf32, #tpu.memory_space<vmem>>, %arg7: memref<16xf32, #tpu.memory_space<vmem>>) attributes {dimension_semantics = [#tpu.dimension_semantics<core_parallel>, #tpu.dimension_semantics<subcore_parallel>], iteration_bounds = array<i64: 2, 16>, scalar_prefetch = 0 : i64, scratch_operands = 3 : i64, tpu.core_type = #tpu.core_type<sc_vector_subcore>, window_params = [{transform_indices = #map}, {transform_indices = #map}, {transform_indices = #map}]} {
    %mul3A = arith.constant 2 : i32
    %mul3A_0 = arith.muli %arg1, %mul3A : i32
    %add3A = arith.addi %mul3A_0, %arg0 : i32
    "tpu.region"() ({
      %run_scoped3A = tpu.sem_alloc : memref<!tpu.dma_semaphore, #tpu.memory_space<semaphore_mem>>
      %dma_start3A = arith.constant 0 : i32
      %dma_start3A_51 = tpu.memref_slice %arg2[%add3A, %dma_start3A] : memref<32x8960xf32, #tpu.memory_space<hbm>> -> memref<1x8960xf32, #tpu.memory_space<hbm>>
      %dma_start3A_52 = tpu.memref_squeeze %dma_start3A_51 : memref<1x8960xf32, #tpu.memory_space<hbm>> -> memref<8960xf32, #tpu.memory_space<hbm>>
      %dma_start3A_53 = arith.constant 0 : i32
      %dma_start3A_54 = tpu.memref_slice %arg2[%add3A, %dma_start3A_53] : memref<32x8960xf32, #tpu.memory_space<hbm>> -> memref<1x8960xf32, #tpu.memory_space<hbm>>
      %dma_start3A_55 = tpu.memref_squeeze %dma_start3A_54 : memref<1x8960xf32, #tpu.memory_space<hbm>> -> memref<8960xf32, #tpu.memory_space<hbm>>
      tpu.enqueue_dma source(%dma_start3A_55 : memref<8960xf32, #tpu.memory_space<hbm>>) target(%arg5 : memref<8960xf32, #tpu.memory_space<vmem>>) target_semaphore(%run_scoped3A : memref<!tpu.dma_semaphore, #tpu.memory_space<semaphore_mem>>)
      %dma_wait3A = arith.constant 0 : i32
      %dma_wait3A_56 = tpu.memref_slice %arg2[%add3A, %dma_wait3A] : memref<32x8960xf32, #tpu.memory_space<hbm>> -> memref<1x8960xf32, #tpu.memory_space<hbm>>
      %dma_wait3A_57 = tpu.memref_squeeze %dma_wait3A_56 : memref<1x8960xf32, #tpu.memory_space<hbm>> -> memref<8960xf32, #tpu.memory_space<hbm>>
      %dma_wait3A_58 = arith.constant 0 : i32
      %dma_wait3A_59 = tpu.memref_slice %arg2[%add3A, %dma_wait3A_58] : memref<32x8960xf32, #tpu.memory_space<hbm>> -> memref<1x8960xf32, #tpu.memory_space<hbm>>
      %dma_wait3A_60 = tpu.memref_squeeze %dma_wait3A_59 : memref<1x8960xf32, #tpu.memory_space<hbm>> -> memref<8960xf32, #tpu.memory_space<hbm>>
      tpu.wait_dma2 semaphore(%run_scoped3A : memref<!tpu.dma_semaphore, #tpu.memory_space<semaphore_mem>>) src(%dma_wait3A_60 : memref<8960xf32, #tpu.memory_space<hbm>>) dst(%arg5 : memref<8960xf32, #tpu.memory_space<vmem>>)
      tpu.yield
    }) : () -> ()
    "tpu.region"() ({
      %run_scoped3A = tpu.sem_alloc : memref<!tpu.dma_semaphore, #tpu.memory_space<semaphore_mem>>
      %dma_start3A = arith.constant 0 : i32
      %dma_start3A_51 = tpu.memref_slice %arg3[%add3A, %dma_start3A] : memref<32x128xf32, #tpu.memory_space<hbm>> -> memref<1x128xf32, #tpu.memory_space<hbm>>
      %dma_start3A_52 = tpu.memref_squeeze %dma_start3A_51 : memref<1x128xf32, #tpu.memory_space<hbm>> -> memref<128xf32, #tpu.memory_space<hbm>>
      %dma_start3A_53 = arith.constant 0 : i32
      %dma_start3A_54 = tpu.memref_slice %arg3[%add3A, %dma_start3A_53] : memref<32x128xf32, #tpu.memory_space<hbm>> -> memref<1x128xf32, #tpu.memory_space<hbm>>
      %dma_start3A_55 = tpu.memref_squeeze %dma_start3A_54 : memref<1x128xf32, #tpu.memory_space<hbm>> -> memref<128xf32, #tpu.memory_space<hbm>>
      tpu.enqueue_dma source(%dma_start3A_55 : memref<128xf32, #tpu.memory_space<hbm>>) target(%arg6 : memref<128xf32, #tpu.memory_space<vmem>>) target_semaphore(%run_scoped3A : memref<!tpu.dma_semaphore, #tpu.memory_space<semaphore_mem>>)
      %dma_wait3A = arith.constant 0 : i32
      %dma_wait3A_56 = tpu.memref_slice %arg3[%add3A, %dma_wait3A] : memref<32x128xf32, #tpu.memory_space<hbm>> -> memref<1x128xf32, #tpu.memory_space<hbm>>
      %dma_wait3A_57 = tpu.memref_squeeze %dma_wait3A_56 : memref<1x128xf32, #tpu.memory_space<hbm>> -> memref<128xf32, #tpu.memory_space<hbm>>
      %dma_wait3A_58 = arith.constant 0 : i32
      %dma_wait3A_59 = tpu.memref_slice %arg3[%add3A, %dma_wait3A_58] : memref<32x128xf32, #tpu.memory_space<hbm>> -> memref<1x128xf32, #tpu.memory_space<hbm>>
      %dma_wait3A_60 = tpu.memref_squeeze %dma_wait3A_59 : memref<1x128xf32, #tpu.memory_space<hbm>> -> memref<128xf32, #tpu.memory_space<hbm>>
      tpu.wait_dma2 semaphore(%run_scoped3A : memref<!tpu.dma_semaphore, #tpu.memory_space<semaphore_mem>>) src(%dma_wait3A_60 : memref<128xf32, #tpu.memory_space<hbm>>) dst(%arg6 : memref<128xf32, #tpu.memory_space<vmem>>)
      tpu.yield
    }) : () -> ()
    %get3A = arith.constant 0 : index
    %get3A_1 = tpu.vector_load %arg6[%get3A] {strides = array<i32>} : memref<128xf32, #tpu.memory_space<vmem>>, vector<16xf32>,
    %reduce_max3A = arith.constant true
    %reduce_max3A_2 = vector.broadcast %reduce_max3A : i1 to vector<16xi1>
    %reduce_max3A_3 = tpu.scan <max>, %get3A_1 masked %reduce_max3A_2 : vector<16xf32>, vector<16xi1> -> vector<16xf32>
    %reduce_max3A_4 = vector.extract %reduce_max3A_3[15] : f32 from vector<16xf32>
    %broadcast_in_dim3A = arith.constant 0.000000e+00 : f32
    %broadcast_in_dim3A_5 = vector.broadcast %broadcast_in_dim3A : f32 to vector<16xf32>
    %scan3A = arith.constant 0 : i32
    %scan3A_6 = arith.constant 35 : i32
    %scan3A_7 = arith.addi %scan3A, %scan3A_6 : i32
    %scan3A_8 = arith.constant 1 : i32
    %scan3A_9 = scf.for %scan3A_51 = %scan3A to %scan3A_7 step %scan3A_8 iter_args(%scan3A_52 = %broadcast_in_dim3A_5) -> (vector<16xf32>)  : i32 {
      %mul3A_53 = arith.constant 256 : i32
      %mul3A_54 = arith.muli %scan3A_51, %mul3A_53 : i32
      %multiple_of3A = tpu.assume_multiple %mul3A_54, 256 : i32
      %add3A_55 = arith.constant 0 : i32
      %add3A_56 = arith.addi %multiple_of3A, %add3A_55 : i32
      %get3A_57 = arith.index_cast %add3A_56 : i32 to index
      %get3A_58 = tpu.vector_load %arg5[%get3A_57] {strides = array<i32>} : memref<8960xf32, #tpu.memory_space<vmem>>, vector<16xf32>,
      %max3A = arith.maximumf %scan3A_52, %get3A_58 : vector<16xf32>
      %add3A_59 = arith.constant 16 : i32
      %add3A_60 = arith.addi %multiple_of3A, %add3A_59 : i32
      %get3A_61 = arith.index_cast %add3A_60 : i32 to index
      %get3A_62 = tpu.vector_load %arg5[%get3A_61] {strides = array<i32>} : memref<8960xf32, #tpu.memory_space<vmem>>, vector<16xf32>,
      %max3A_63 = arith.maximumf %max3A, %get3A_62 : vector<16xf32>
      %add3A_64 = arith.constant 32 : i32
      %add3A_65 = arith.addi %multiple_of3A, %add3A_64 : i32
      %get3A_66 = arith.index_cast %add3A_65 : i32 to index
      %get3A_67 = tpu.vector_load %arg5[%get3A_66] {strides = array<i32>} : memref<8960xf32, #tpu.memory_space<vmem>>, vector<16xf32>,
      %max3A_68 = arith.maximumf %max3A_63, %get3A_67 : vector<16xf32>
      %add3A_69 = arith.constant 48 : i32
      %add3A_70 = arith.addi %multiple_of3A, %add3A_69 : i32
      %get3A_71 = arith.index_cast %add3A_70 : i32 to index
      %get3A_72 = tpu.vector_load %arg5[%get3A_71] {strides = array<i32>} : memref<8960xf32, #tpu.memory_space<vmem>>, vector<16xf32>,
      %max3A_73 = arith.maximumf %max3A_68, %get3A_72 : vector<16xf32>
      %add3A_74 = arith.constant 64 : i32
      %add3A_75 = arith.addi %multiple_of3A, %add3A_74 : i32
      %get3A_76 = arith.index_cast %add3A_75 : i32 to index
      %get3A_77 = tpu.vector_load %arg5[%get3A_76] {strides = array<i32>} : memref<8960xf32, #tpu.memory_space<vmem>>, vector<16xf32>,
      %max3A_78 = arith.maximumf %max3A_73, %get3A_77 : vector<16xf32>
      %add3A_79 = arith.constant 80 : i32
      %add3A_80 = arith.addi %multiple_of3A, %add3A_79 : i32
      %get3A_81 = arith.index_cast %add3A_80 : i32 to index
      %get3A_82 = tpu.vector_load %arg5[%get3A_81] {strides = array<i32>} : memref<8960xf32, #tpu.memory_space<vmem>>, vector<16xf32>,
      %max3A_83 = arith.maximumf %max3A_78, %get3A_82 : vector<16xf32>
      %add3A_84 = arith.constant 96 : i32
      %add3A_85 = arith.addi %multiple_of3A, %add3A_84 : i32
      %get3A_86 = arith.index_cast %add3A_85 : i32 to index
      %get3A_87 = tpu.vector_load %arg5[%get3A_86] {strides = array<i32>} : memref<8960xf32, #tpu.memory_space<vmem>>, vector<16xf32>,
      %max3A_88 = arith.maximumf %max3A_83, %get3A_87 : vector<16xf32>
      %add3A_89 = arith.constant 112 : i32
      %add3A_90 = arith.addi %multiple_of3A, %add3A_89 : i32
      %get3A_91 = arith.index_cast %add3A_90 : i32 to index
      %get3A_92 = tpu.vector_load %arg5[%get3A_91] {strides = array<i32>} : memref<8960xf32, #tpu.memory_space<vmem>>, vector<16xf32>,
      %max3A_93 = arith.maximumf %max3A_88, %get3A_92 : vector<16xf32>
      %add3A_94 = arith.constant 128 : i32
      %add3A_95 = arith.addi %multiple_of3A, %add3A_94 : i32
      %get3A_96 = arith.index_cast %add3A_95 : i32 to index
      %get3A_97 = tpu.vector_load %arg5[%get3A_96] {strides = array<i32>} : memref<8960xf32, #tpu.memory_space<vmem>>, vector<16xf32>,
      %max3A_98 = arith.maximumf %max3A_93, %get3A_97 : vector<16xf32>
      %add3A_99 = arith.constant 144 : i32
      %add3A_100 = arith.addi %multiple_of3A, %add3A_99 : i32
      %get3A_101 = arith.index_cast %add3A_100 : i32 to index
      %get3A_102 = tpu.vector_load %arg5[%get3A_101] {strides = array<i32>} : memref<8960xf32, #tpu.memory_space<vmem>>, vector<16xf32>,
      %max3A_103 = arith.maximumf %max3A_98, %get3A_102 : vector<16xf32>
      %add3A_104 = arith.constant 160 : i32
      %add3A_105 = arith.addi %multiple_of3A, %add3A_104 : i32
      %get3A_106 = arith.index_cast %add3A_105 : i32 to index
      %get3A_107 = tpu.vector_load %arg5[%get3A_106] {strides = array<i32>} : memref<8960xf32, #tpu.memory_space<vmem>>, vector<16xf32>,
      %max3A_108 = arith.maximumf %max3A_103, %get3A_107 : vector<16xf32>
      %add3A_109 = arith.constant 176 : i32
      %add3A_110 = arith.addi %multiple_of3A, %add3A_109 : i32
      %get3A_111 = arith.index_cast %add3A_110 : i32 to index
      %get3A_112 = tpu.vector_load %arg5[%get3A_111] {strides = array<i32>} : memref<8960xf32, #tpu.memory_space<vmem>>, vector<16xf32>,
      %max3A_113 = arith.maximumf %max3A_108, %get3A_112 : vector<16xf32>
      %add3A_114 = arith.constant 192 : i32
      %add3A_115 = arith.addi %multiple_of3A, %add3A_114 : i32
      %get3A_116 = arith.index_cast %add3A_115 : i32 to index
      %get3A_117 = tpu.vector_load %arg5[%get3A_116] {strides = array<i32>} : memref<8960xf32, #tpu.memory_space<vmem>>, vector<16xf32>,
      %max3A_118 = arith.maximumf %max3A_113, %get3A_117 : vector<16xf32>
      %add3A_119 = arith.constant 208 : i32
      %add3A_120 = arith.addi %multiple_of3A, %add3A_119 : i32
      %get3A_121 = arith.index_cast %add3A_120 : i32 to index
      %get3A_122 = tpu.vector_load %arg5[%get3A_121] {strides = array<i32>} : memref<8960xf32, #tpu.memory_space<vmem>>, vector<16xf32>,
      %max3A_123 = arith.maximumf %max3A_118, %get3A_122 : vector<16xf32>
      %add3A_124 = arith.constant 224 : i32
      %add3A_125 = arith.addi %multiple_of3A, %add3A_124 : i32
      %get3A_126 = arith.index_cast %add3A_125 : i32 to index
      %get3A_127 = tpu.vector_load %arg5[%get3A_126] {strides = array<i32>} : memref<8960xf32, #tpu.memory_space<vmem>>, vector<16xf32>,
      %max3A_128 = arith.maximumf %max3A_123, %get3A_127 : vector<16xf32>
      %add3A_129 = arith.constant 240 : i32
      %add3A_130 = arith.addi %multiple_of3A, %add3A_129 : i32
      %get3A_131 = arith.index_cast %add3A_130 : i32 to index
      %get3A_132 = tpu.vector_load %arg5[%get3A_131] {strides = array<i32>} : memref<8960xf32, #tpu.memory_space<vmem>>, vector<16xf32>,
      %max3A_133 = arith.maximumf %max3A_128, %get3A_132 : vector<16xf32>
      scf.yield %max3A_133 : vector<16xf32>
    }
    %scan3A_10 = arith.constant 35 : i32
    %bitcast3A = vector.bitcast %scan3A_9 : vector<16xf32> to vector<16xi32>
    %reduce_max3A_11 = arith.constant true
    %reduce_max3A_12 = vector.broadcast %reduce_max3A_11 : i1 to vector<16xi1>
    %reduce_max3A_13 = arith.constant -2147483648 : i32
    %reduce_max3A_14 = vector.broadcast %reduce_max3A_13 : i32 to vector<16xi32>
    %reduce_max3A_15 = arith.xori %bitcast3A, %reduce_max3A_14 : vector<16xi32>
    %reduce_max3A_16 = tpu.scan <max>, %reduce_max3A_15 masked %reduce_max3A_12 : vector<16xi32>, vector<16xi1> -> vector<16xi32>
    %reduce_max3A_17 = arith.xori %reduce_max3A_16, %reduce_max3A_14 : vector<16xi32>
    %reduce_max3A_18 = vector.extract %reduce_max3A_17[15] : i32 from vector<16xi32>
    %scan3A_19 = arith.constant 0 : i32
    %scan3A_20 = arith.constant 0 : i32
    %scan3A_21 = arith.constant 31 : i32
    %scan3A_22 = arith.addi %scan3A_20, %scan3A_21 : i32
    %scan3A_23 = arith.constant 1 : i32
    %scan3A_24:2 = scf.for %scan3A_51 = %scan3A_20 to %scan3A_22 step %scan3A_23 iter_args(%scan3A_52 = %scan3A_19, %scan3A_53 = %reduce_max3A_18) -> (i32, i32)  : i32 {
      %sub3A_54 = arith.subi %scan3A_53, %scan3A_52 : i32
      %add3A_55 = arith.constant 1 : i32
      %add3A_56 = arith.addi %sub3A_54, %add3A_55 : i32
      %shift_right_logical3A = arith.constant 1 : i32
      %shift_right_logical3A_57 = arith.shrui %add3A_56, %shift_right_logical3A : i32
      %add3A_58 = arith.addi %scan3A_52, %shift_right_logical3A_57 : i32
      %broadcast_in_dim3A_59 = vector.broadcast %add3A_58 : i32 to vector<16xi32>
      %bitcast3A_60 = vector.bitcast %broadcast_in_dim3A_59 : vector<16xi32> to vector<16xf32>
      %broadcast_in_dim3A_61 = arith.constant 0.000000e+00 : f32
      %broadcast_in_dim3A_62 = vector.broadcast %broadcast_in_dim3A_61 : f32 to vector<16xf32>
      %scan3A_63 = arith.constant 0 : i32
      %scan3A_64 = arith.constant 35 : i32
      %scan3A_65 = arith.addi %scan3A_63, %scan3A_64 : i32
      %scan3A_66 = arith.constant 1 : i32
      %scan3A_67 = scf.for %scan3A_76 = %scan3A_63 to %scan3A_65 step %scan3A_66 iter_args(%scan3A_77 = %broadcast_in_dim3A_62) -> (vector<16xf32>)  : i32 {
        %mul3A_78 = arith.constant 256 : i32
        %mul3A_79 = arith.muli %scan3A_76, %mul3A_78 : i32
        %multiple_of3A = tpu.assume_multiple %mul3A_79, 256 : i32
        %add3A_80 = arith.constant 0 : i32
        %add3A_81 = arith.addi %multiple_of3A, %add3A_80 : i32
        %get3A_82 = arith.index_cast %add3A_81 : i32 to index
        %get3A_83 = tpu.vector_load %arg5[%get3A_82] {strides = array<i32>} : memref<8960xf32, #tpu.memory_space<vmem>>, vector<16xf32>,
        %ge3A_84 = arith.cmpf oge, %get3A_83, %bitcast3A_60 : vector<16xf32>
        %jit3A = arith.constant 1.000000e+00 : f32
        %jit3A_85 = arith.constant 0.000000e+00 : f32
        %broadcast_in_dim3A_86 = vector.broadcast %jit3A : f32 to vector<16xf32>
        %broadcast_in_dim3A_87 = vector.broadcast %jit3A_85 : f32 to vector<16xf32>
        %select_n3A_88 = arith.select %ge3A_84, %broadcast_in_dim3A_86, %broadcast_in_dim3A_87 : vector<16xi1>, vector<16xf32>
        %add3A_89 = arith.addf %scan3A_77, %select_n3A_88 : vector<16xf32>
        %add3A_90 = arith.constant 16 : i32
        %add3A_91 = arith.addi %multiple_of3A, %add3A_90 : i32
        %get3A_92 = arith.index_cast %add3A_91 : i32 to index
        %get3A_93 = tpu.vector_load %arg5[%get3A_92] {strides = array<i32>} : memref<8960xf32, #tpu.memory_space<vmem>>, vector<16xf32>,
        %ge3A_94 = arith.cmpf oge, %get3A_93, %bitcast3A_60 : vector<16xf32>
        %jit3A_95 = arith.constant 1.000000e+00 : f32
        %jit3A_96 = arith.constant 0.000000e+00 : f32
        %broadcast_in_dim3A_97 = vector.broadcast %jit3A_95 : f32 to vector<16xf32>
        %broadcast_in_dim3A_98 = vector.broadcast %jit3A_96 : f32 to vector<16xf32>
        %select_n3A_99 = arith.select %ge3A_94, %broadcast_in_dim3A_97, %broadcast_in_dim3A_98 : vector<16xi1>, vector<16xf32>
        %add3A_100 = arith.addf %add3A_89, %select_n3A_99 : vector<16xf32>
        %add3A_101 = arith.constant 32 : i32
        %add3A_102 = arith.addi %multiple_of3A, %add3A_101 : i32
        %get3A_103 = arith.index_cast %add3A_102 : i32 to index
        %get3A_104 = tpu.vector_load %arg5[%get3A_103] {strides = array<i32>} : memref<8960xf32, #tpu.memory_space<vmem>>, vector<16xf32>,
        %ge3A_105 = arith.cmpf oge, %get3A_104, %bitcast3A_60 : vector<16xf32>
        %jit3A_106 = arith.constant 1.000000e+00 : f32
        %jit3A_107 = arith.constant 0.000000e+00 : f32
        %broadcast_in_dim3A_108 = vector.broadcast %jit3A_106 : f32 to vector<16xf32>
        %broadcast_in_dim3A_109 = vector.broadcast %jit3A_107 : f32 to vector<16xf32>
        %select_n3A_110 = arith.select %ge3A_105, %broadcast_in_dim3A_108, %broadcast_in_dim3A_109 : vector<16xi1>, vector<16xf32>
        %add3A_111 = arith.addf %add3A_100, %select_n3A_110 : vector<16xf32>
        %add3A_112 = arith.constant 48 : i32
        %add3A_113 = arith.addi %multiple_of3A, %add3A_112 : i32
        %get3A_114 = arith.index_cast %add3A_113 : i32 to index
        %get3A_115 = tpu.vector_load %arg5[%get3A_114] {strides = array<i32>} : memref<8960xf32, #tpu.memory_space<vmem>>, vector<16xf32>,
        %ge3A_116 = arith.cmpf oge, %get3A_115, %bitcast3A_60 : vector<16xf32>
        %jit3A_117 = arith.constant 1.000000e+00 : f32
        %jit3A_118 = arith.constant 0.000000e+00 : f32
        %broadcast_in_dim3A_119 = vector.broadcast %jit3A_117 : f32 to vector<16xf32>
        %broadcast_in_dim3A_120 = vector.broadcast %jit3A_118 : f32 to vector<16xf32>
        %select_n3A_121 = arith.select %ge3A_116, %broadcast_in_dim3A_119, %broadcast_in_dim3A_120 : vector<16xi1>, vector<16xf32>
        %add3A_122 = arith.addf %add3A_111, %select_n3A_121 : vector<16xf32>
        %add3A_123 = arith.constant 64 : i32
        %add3A_124 = arith.addi %multiple_of3A, %add3A_123 : i32
        %get3A_125 = arith.index_cast %add3A_124 : i32 to index
        %get3A_126 = tpu.vector_load %arg5[%get3A_125] {strides = array<i32>} : memref<8960xf32, #tpu.memory_space<vmem>>, vector<16xf32>,
        %ge3A_127 = arith.cmpf oge, %get3A_126, %bitcast3A_60 : vector<16xf32>
        %jit3A_128 = arith.constant 1.000000e+00 : f32
        %jit3A_129 = arith.constant 0.000000e+00 : f32
        %broadcast_in_dim3A_130 = vector.broadcast %jit3A_128 : f32 to vector<16xf32>
        %broadcast_in_dim3A_131 = vector.broadcast %jit3A_129 : f32 to vector<16xf32>
        %select_n3A_132 = arith.select %ge3A_127, %broadcast_in_dim3A_130, %broadcast_in_dim3A_131 : vector<16xi1>, vector<16xf32>
        %add3A_133 = arith.addf %add3A_122, %select_n3A_132 : vector<16xf32>
        %add3A_134 = arith.constant 80 : i32
        %add3A_135 = arith.addi %multiple_of3A, %add3A_134 : i32
        %get3A_136 = arith.index_cast %add3A_135 : i32 to index
        %get3A_137 = tpu.vector_load %arg5[%get3A_136] {strides = array<i32>} : memref<8960xf32, #tpu.memory_space<vmem>>, vector<16xf32>,
        %ge3A_138 = arith.cmpf oge, %get3A_137, %bitcast3A_60 : vector<16xf32>
        %jit3A_139 = arith.constant 1.000000e+00 : f32
        %jit3A_140 = arith.constant 0.000000e+00 : f32
        %broadcast_in_dim3A_141 = vector.broadcast %jit3A_139 : f32 to vector<16xf32>
        %broadcast_in_dim3A_142 = vector.broadcast %jit3A_140 : f32 to vector<16xf32>
        %select_n3A_143 = arith.select %ge3A_138, %broadcast_in_dim3A_141, %broadcast_in_dim3A_142 : vector<16xi1>, vector<16xf32>
        %add3A_144 = arith.addf %add3A_133, %select_n3A_143 : vector<16xf32>
        %add3A_145 = arith.constant 96 : i32
        %add3A_146 = arith.addi %multiple_of3A, %add3A_145 : i32
        %get3A_147 = arith.index_cast %add3A_146 : i32 to index
        %get3A_148 = tpu.vector_load %arg5[%get3A_147] {strides = array<i32>} : memref<8960xf32, #tpu.memory_space<vmem>>, vector<16xf32>,
        %ge3A_149 = arith.cmpf oge, %get3A_148, %bitcast3A_60 : vector<16xf32>
        %jit3A_150 = arith.constant 1.000000e+00 : f32
        %jit3A_151 = arith.constant 0.000000e+00 : f32
        %broadcast_in_dim3A_152 = vector.broadcast %jit3A_150 : f32 to vector<16xf32>
        %broadcast_in_dim3A_153 = vector.broadcast %jit3A_151 : f32 to vector<16xf32>
        %select_n3A_154 = arith.select %ge3A_149, %broadcast_in_dim3A_152, %broadcast_in_dim3A_153 : vector<16xi1>, vector<16xf32>
        %add3A_155 = arith.addf %add3A_144, %select_n3A_154 : vector<16xf32>
        %add3A_156 = arith.constant 112 : i32
        %add3A_157 = arith.addi %multiple_of3A, %add3A_156 : i32
        %get3A_158 = arith.index_cast %add3A_157 : i32 to index
        %get3A_159 = tpu.vector_load %arg5[%get3A_158] {strides = array<i32>} : memref<8960xf32, #tpu.memory_space<vmem>>, vector<16xf32>,
        %ge3A_160 = arith.cmpf oge, %get3A_159, %bitcast3A_60 : vector<16xf32>
        %jit3A_161 = arith.constant 1.000000e+00 : f32
        %jit3A_162 = arith.constant 0.000000e+00 : f32
        %broadcast_in_dim3A_163 = vector.broadcast %jit3A_161 : f32 to vector<16xf32>
        %broadcast_in_dim3A_164 = vector.broadcast %jit3A_162 : f32 to vector<16xf32>
        %select_n3A_165 = arith.select %ge3A_160, %broadcast_in_dim3A_163, %broadcast_in_dim3A_164 : vector<16xi1>, vector<16xf32>
        %add3A_166 = arith.addf %add3A_155, %select_n3A_165 : vector<16xf32>
        %add3A_167 = arith.constant 128 : i32
        %add3A_168 = arith.addi %multiple_of3A, %add3A_167 : i32
        %get3A_169 = arith.index_cast %add3A_168 : i32 to index
        %get3A_170 = tpu.vector_load %arg5[%get3A_169] {strides = array<i32>} : memref<8960xf32, #tpu.memory_space<vmem>>, vector<16xf32>,
        %ge3A_171 = arith.cmpf oge, %get3A_170, %bitcast3A_60 : vector<16xf32>
        %jit3A_172 = arith.constant 1.000000e+00 : f32
        %jit3A_173 = arith.constant 0.000000e+00 : f32
        %broadcast_in_dim3A_174 = vector.broadcast %jit3A_172 : f32 to vector<16xf32>
        %broadcast_in_dim3A_175 = vector.broadcast %jit3A_173 : f32 to vector<16xf32>
        %select_n3A_176 = arith.select %ge3A_171, %broadcast_in_dim3A_174, %broadcast_in_dim3A_175 : vector<16xi1>, vector<16xf32>
        %add3A_177 = arith.addf %add3A_166, %select_n3A_176 : vector<16xf32>
        %add3A_178 = arith.constant 144 : i32
        %add3A_179 = arith.addi %multiple_of3A, %add3A_178 : i32
        %get3A_180 = arith.index_cast %add3A_179 : i32 to index
        %get3A_181 = tpu.vector_load %arg5[%get3A_180] {strides = array<i32>} : memref<8960xf32, #tpu.memory_space<vmem>>, vector<16xf32>,
        %ge3A_182 = arith.cmpf oge, %get3A_181, %bitcast3A_60 : vector<16xf32>
        %jit3A_183 = arith.constant 1.000000e+00 : f32
        %jit3A_184 = arith.constant 0.000000e+00 : f32
        %broadcast_in_dim3A_185 = vector.broadcast %jit3A_183 : f32 to vector<16xf32>
        %broadcast_in_dim3A_186 = vector.broadcast %jit3A_184 : f32 to vector<16xf32>
        %select_n3A_187 = arith.select %ge3A_182, %broadcast_in_dim3A_185, %broadcast_in_dim3A_186 : vector<16xi1>, vector<16xf32>
        %add3A_188 = arith.addf %add3A_177, %select_n3A_187 : vector<16xf32>
        %add3A_189 = arith.constant 160 : i32
        %add3A_190 = arith.addi %multiple_of3A, %add3A_189 : i32
        %get3A_191 = arith.index_cast %add3A_190 : i32 to index
        %get3A_192 = tpu.vector_load %arg5[%get3A_191] {strides = array<i32>} : memref<8960xf32, #tpu.memory_space<vmem>>, vector<16xf32>,
        %ge3A_193 = arith.cmpf oge, %get3A_192, %bitcast3A_60 : vector<16xf32>
        %jit3A_194 = arith.constant 1.000000e+00 : f32
        %jit3A_195 = arith.constant 0.000000e+00 : f32
        %broadcast_in_dim3A_196 = vector.broadcast %jit3A_194 : f32 to vector<16xf32>
        %broadcast_in_dim3A_197 = vector.broadcast %jit3A_195 : f32 to vector<16xf32>
        %select_n3A_198 = arith.select %ge3A_193, %broadcast_in_dim3A_196, %broadcast_in_dim3A_197 : vector<16xi1>, vector<16xf32>
        %add3A_199 = arith.addf %add3A_188, %select_n3A_198 : vector<16xf32>
        %add3A_200 = arith.constant 176 : i32
        %add3A_201 = arith.addi %multiple_of3A, %add3A_200 : i32
        %get3A_202 = arith.index_cast %add3A_201 : i32 to index
        %get3A_203 = tpu.vector_load %arg5[%get3A_202] {strides = array<i32>} : memref<8960xf32, #tpu.memory_space<vmem>>, vector<16xf32>,
        %ge3A_204 = arith.cmpf oge, %get3A_203, %bitcast3A_60 : vector<16xf32>
        %jit3A_205 = arith.constant 1.000000e+00 : f32
        %jit3A_206 = arith.constant 0.000000e+00 : f32
        %broadcast_in_dim3A_207 = vector.broadcast %jit3A_205 : f32 to vector<16xf32>
        %broadcast_in_dim3A_208 = vector.broadcast %jit3A_206 : f32 to vector<16xf32>
        %select_n3A_209 = arith.select %ge3A_204, %broadcast_in_dim3A_207, %broadcast_in_dim3A_208 : vector<16xi1>, vector<16xf32>
        %add3A_210 = arith.addf %add3A_199, %select_n3A_209 : vector<16xf32>
        %add3A_211 = arith.constant 192 : i32
        %add3A_212 = arith.addi %multiple_of3A, %add3A_211 : i32
        %get3A_213 = arith.index_cast %add3A_212 : i32 to index
        %get3A_214 = tpu.vector_load %arg5[%get3A_213] {strides = array<i32>} : memref<8960xf32, #tpu.memory_space<vmem>>, vector<16xf32>,
        %ge3A_215 = arith.cmpf oge, %get3A_214, %bitcast3A_60 : vector<16xf32>
        %jit3A_216 = arith.constant 1.000000e+00 : f32
        %jit3A_217 = arith.constant 0.000000e+00 : f32
        %broadcast_in_dim3A_218 = vector.broadcast %jit3A_216 : f32 to vector<16xf32>
        %broadcast_in_dim3A_219 = vector.broadcast %jit3A_217 : f32 to vector<16xf32>
        %select_n3A_220 = arith.select %ge3A_215, %broadcast_in_dim3A_218, %broadcast_in_dim3A_219 : vector<16xi1>, vector<16xf32>
        %add3A_221 = arith.addf %add3A_210, %select_n3A_220 : vector<16xf32>
        %add3A_222 = arith.constant 208 : i32
        %add3A_223 = arith.addi %multiple_of3A, %add3A_222 : i32
        %get3A_224 = arith.index_cast %add3A_223 : i32 to index
        %get3A_225 = tpu.vector_load %arg5[%get3A_224] {strides = array<i32>} : memref<8960xf32, #tpu.memory_space<vmem>>, vector<16xf32>,
        %ge3A_226 = arith.cmpf oge, %get3A_225, %bitcast3A_60 : vector<16xf32>
        %jit3A_227 = arith.constant 1.000000e+00 : f32
        %jit3A_228 = arith.constant 0.000000e+00 : f32
        %broadcast_in_dim3A_229 = vector.broadcast %jit3A_227 : f32 to vector<16xf32>
        %broadcast_in_dim3A_230 = vector.broadcast %jit3A_228 : f32 to vector<16xf32>
        %select_n3A_231 = arith.select %ge3A_226, %broadcast_in_dim3A_229, %broadcast_in_dim3A_230 : vector<16xi1>, vector<16xf32>
        %add3A_232 = arith.addf %add3A_221, %select_n3A_231 : vector<16xf32>
        %add3A_233 = arith.constant 224 : i32
        %add3A_234 = arith.addi %multiple_of3A, %add3A_233 : i32
        %get3A_235 = arith.index_cast %add3A_234 : i32 to index
        %get3A_236 = tpu.vector_load %arg5[%get3A_235] {strides = array<i32>} : memref<8960xf32, #tpu.memory_space<vmem>>, vector<16xf32>,
        %ge3A_237 = arith.cmpf oge, %get3A_236, %bitcast3A_60 : vector<16xf32>
        %jit3A_238 = arith.constant 1.000000e+00 : f32
        %jit3A_239 = arith.constant 0.000000e+00 : f32
        %broadcast_in_dim3A_240 = vector.broadcast %jit3A_238 : f32 to vector<16xf32>
        %broadcast_in_dim3A_241 = vector.broadcast %jit3A_239 : f32 to vector<16xf32>
        %select_n3A_242 = arith.select %ge3A_237, %broadcast_in_dim3A_240, %broadcast_in_dim3A_241 : vector<16xi1>, vector<16xf32>
        %add3A_243 = arith.addf %add3A_232, %select_n3A_242 : vector<16xf32>
        %add3A_244 = arith.constant 240 : i32
        %add3A_245 = arith.addi %multiple_of3A, %add3A_244 : i32
        %get3A_246 = arith.index_cast %add3A_245 : i32 to index
        %get3A_247 = tpu.vector_load %arg5[%get3A_246] {strides = array<i32>} : memref<8960xf32, #tpu.memory_space<vmem>>, vector<16xf32>,
        %ge3A_248 = arith.cmpf oge, %get3A_247, %bitcast3A_60 : vector<16xf32>
        %jit3A_249 = arith.constant 1.000000e+00 : f32
        %jit3A_250 = arith.constant 0.000000e+00 : f32
        %broadcast_in_dim3A_251 = vector.broadcast %jit3A_249 : f32 to vector<16xf32>
        %broadcast_in_dim3A_252 = vector.broadcast %jit3A_250 : f32 to vector<16xf32>
        %select_n3A_253 = arith.select %ge3A_248, %broadcast_in_dim3A_251, %broadcast_in_dim3A_252 : vector<16xi1>, vector<16xf32>
        %add3A_254 = arith.addf %add3A_243, %select_n3A_253 : vector<16xf32>
        scf.yield %add3A_254 : vector<16xf32>
      }
      %scan3A_68 = arith.constant 35 : i32
      %reduce_sum3A_69 = arith.constant true
      %reduce_sum3A_70 = vector.broadcast %reduce_sum3A_69 : i1 to vector<16xi1>
      %reduce_sum3A_71 = tpu.scan <sum>, %scan3A_67 masked %reduce_sum3A_70 : vector<16xf32>, vector<16xi1> -> vector<16xf32>
      %reduce_sum3A_72 = vector.extract %reduce_sum3A_71[15] : f32 from vector<16xf32>
      %ge3A = arith.cmpf oge, %reduce_sum3A_72, %reduce_max3A_4 : f32
      %select_n3A = arith.select %ge3A, %add3A_58, %scan3A_52 : i32
      %sub3A_73 = arith.constant 1 : i32
      %sub3A_74 = arith.subi %add3A_58, %sub3A_73 : i32
      %select_n3A_75 = arith.select %ge3A, %scan3A_53, %sub3A_74 : i32
      scf.yield %select_n3A, %select_n3A_75 : i32, i32
    }
    %scan3A_25 = arith.constant 31 : i32
    %broadcast_in_dim3A_26 = vector.broadcast %scan3A_24#0 : i32 to vector<16xi32>
    %bitcast3A_27 = vector.bitcast %broadcast_in_dim3A_26 : vector<16xi32> to vector<16xf32>
    %broadcast_in_dim3A_28 = arith.constant 0.000000e+00 : f32
    %broadcast_in_dim3A_29 = vector.broadcast %broadcast_in_dim3A_28 : f32 to vector<16xf32>
    %scan3A_30 = arith.constant 0 : i32
    %scan3A_31 = arith.constant 35 : i32
    %scan3A_32 = arith.addi %scan3A_30, %scan3A_31 : i32
    %scan3A_33 = arith.constant 1 : i32
    %scan3A_34:3 = scf.for %scan3A_51 = %scan3A_30 to %scan3A_32 step %scan3A_33 iter_args(%scan3A_52 = %broadcast_in_dim3A_29, %scan3A_53 = %broadcast_in_dim3A_29, %scan3A_54 = %broadcast_in_dim3A_29) -> (vector<16xf32>, vector<16xf32>, vector<16xf32>)  : i32 {
      %mul3A_55 = arith.constant 256 : i32
      %mul3A_56 = arith.muli %scan3A_51, %mul3A_55 : i32
      %multiple_of3A = tpu.assume_multiple %mul3A_56, 256 : i32
      %add3A_57 = arith.constant 0 : i32
      %add3A_58 = arith.addi %multiple_of3A, %add3A_57 : i32
      %get3A_59 = arith.index_cast %add3A_58 : i32 to index
      %get3A_60 = tpu.vector_load %arg5[%get3A_59] {strides = array<i32>} : memref<8960xf32, #tpu.memory_space<vmem>>, vector<16xf32>,
      %gt3A = arith.cmpf ogt, %get3A_60, %bitcast3A_27 : vector<16xf32>
      %jit3A = arith.constant 0.000000e+00 : f32
      %broadcast_in_dim3A_61 = vector.broadcast %jit3A : f32 to vector<16xf32>
      %select_n3A = arith.select %gt3A, %get3A_60, %broadcast_in_dim3A_61 : vector<16xi1>, vector<16xf32>
      %add3A_62 = arith.addf %scan3A_52, %select_n3A : vector<16xf32>
      %jit3A_63 = arith.constant 1.000000e+00 : f32
      %jit3A_64 = arith.constant 0.000000e+00 : f32
      %broadcast_in_dim3A_65 = vector.broadcast %jit3A_63 : f32 to vector<16xf32>
      %broadcast_in_dim3A_66 = vector.broadcast %jit3A_64 : f32 to vector<16xf32>
      %select_n3A_67 = arith.select %gt3A, %broadcast_in_dim3A_65, %broadcast_in_dim3A_66 : vector<16xi1>, vector<16xf32>
      %add3A_68 = arith.addf %scan3A_53, %select_n3A_67 : vector<16xf32>
      %jit3A_69 = arith.constant 0.000000e+00 : f32
      %broadcast_in_dim3A_70 = vector.broadcast %jit3A_69 : f32 to vector<16xf32>
      %select_n3A_71 = arith.select %gt3A, %broadcast_in_dim3A_70, %get3A_60 : vector<16xi1>, vector<16xf32>
      %max3A = arith.maximumf %scan3A_54, %select_n3A_71 : vector<16xf32>
      %add3A_72 = arith.constant 16 : i32
      %add3A_73 = arith.addi %multiple_of3A, %add3A_72 : i32
      %get3A_74 = arith.index_cast %add3A_73 : i32 to index
      %get3A_75 = tpu.vector_load %arg5[%get3A_74] {strides = array<i32>} : memref<8960xf32, #tpu.memory_space<vmem>>, vector<16xf32>,
      %gt3A_76 = arith.cmpf ogt, %get3A_75, %bitcast3A_27 : vector<16xf32>
      %jit3A_77 = arith.constant 0.000000e+00 : f32
      %broadcast_in_dim3A_78 = vector.broadcast %jit3A_77 : f32 to vector<16xf32>
      %select_n3A_79 = arith.select %gt3A_76, %get3A_75, %broadcast_in_dim3A_78 : vector<16xi1>, vector<16xf32>
      %add3A_80 = arith.addf %add3A_62, %select_n3A_79 : vector<16xf32>
      %jit3A_81 = arith.constant 1.000000e+00 : f32
      %jit3A_82 = arith.constant 0.000000e+00 : f32
      %broadcast_in_dim3A_83 = vector.broadcast %jit3A_81 : f32 to vector<16xf32>
      %broadcast_in_dim3A_84 = vector.broadcast %jit3A_82 : f32 to vector<16xf32>
      %select_n3A_85 = arith.select %gt3A_76, %broadcast_in_dim3A_83, %broadcast_in_dim3A_84 : vector<16xi1>, vector<16xf32>
      %add3A_86 = arith.addf %add3A_68, %select_n3A_85 : vector<16xf32>
      %jit3A_87 = arith.constant 0.000000e+00 : f32
      %broadcast_in_dim3A_88 = vector.broadcast %jit3A_87 : f32 to vector<16xf32>
      %select_n3A_89 = arith.select %gt3A_76, %broadcast_in_dim3A_88, %get3A_75 : vector<16xi1>, vector<16xf32>
      %max3A_90 = arith.maximumf %max3A, %select_n3A_89 : vector<16xf32>
      %add3A_91 = arith.constant 32 : i32
      %add3A_92 = arith.addi %multiple_of3A, %add3A_91 : i32
      %get3A_93 = arith.index_cast %add3A_92 : i32 to index
      %get3A_94 = tpu.vector_load %arg5[%get3A_93] {strides = array<i32>} : memref<8960xf32, #tpu.memory_space<vmem>>, vector<16xf32>,
      %gt3A_95 = arith.cmpf ogt, %get3A_94, %bitcast3A_27 : vector<16xf32>
      %jit3A_96 = arith.constant 0.000000e+00 : f32
      %broadcast_in_dim3A_97 = vector.broadcast %jit3A_96 : f32 to vector<16xf32>
      %select_n3A_98 = arith.select %gt3A_95, %get3A_94, %broadcast_in_dim3A_97 : vector<16xi1>, vector<16xf32>
      %add3A_99 = arith.addf %add3A_80, %select_n3A_98 : vector<16xf32>
      %jit3A_100 = arith.constant 1.000000e+00 : f32
      %jit3A_101 = arith.constant 0.000000e+00 : f32
      %broadcast_in_dim3A_102 = vector.broadcast %jit3A_100 : f32 to vector<16xf32>
      %broadcast_in_dim3A_103 = vector.broadcast %jit3A_101 : f32 to vector<16xf32>
      %select_n3A_104 = arith.select %gt3A_95, %broadcast_in_dim3A_102, %broadcast_in_dim3A_103 : vector<16xi1>, vector<16xf32>
      %add3A_105 = arith.addf %add3A_86, %select_n3A_104 : vector<16xf32>
      %jit3A_106 = arith.constant 0.000000e+00 : f32
      %broadcast_in_dim3A_107 = vector.broadcast %jit3A_106 : f32 to vector<16xf32>
      %select_n3A_108 = arith.select %gt3A_95, %broadcast_in_dim3A_107, %get3A_94 : vector<16xi1>, vector<16xf32>
      %max3A_109 = arith.maximumf %max3A_90, %select_n3A_108 : vector<16xf32>
      %add3A_110 = arith.constant 48 : i32
      %add3A_111 = arith.addi %multiple_of3A, %add3A_110 : i32
      %get3A_112 = arith.index_cast %add3A_111 : i32 to index
      %get3A_113 = tpu.vector_load %arg5[%get3A_112] {strides = array<i32>} : memref<8960xf32, #tpu.memory_space<vmem>>, vector<16xf32>,
      %gt3A_114 = arith.cmpf ogt, %get3A_113, %bitcast3A_27 : vector<16xf32>
      %jit3A_115 = arith.constant 0.000000e+00 : f32
      %broadcast_in_dim3A_116 = vector.broadcast %jit3A_115 : f32 to vector<16xf32>
      %select_n3A_117 = arith.select %gt3A_114, %get3A_113, %broadcast_in_dim3A_116 : vector<16xi1>, vector<16xf32>
      %add3A_118 = arith.addf %add3A_99, %select_n3A_117 : vector<16xf32>
      %jit3A_119 = arith.constant 1.000000e+00 : f32
      %jit3A_120 = arith.constant 0.000000e+00 : f32
      %broadcast_in_dim3A_121 = vector.broadcast %jit3A_119 : f32 to vector<16xf32>
      %broadcast_in_dim3A_122 = vector.broadcast %jit3A_120 : f32 to vector<16xf32>
      %select_n3A_123 = arith.select %gt3A_114, %broadcast_in_dim3A_121, %broadcast_in_dim3A_122 : vector<16xi1>, vector<16xf32>
      %add3A_124 = arith.addf %add3A_105, %select_n3A_123 : vector<16xf32>
      %jit3A_125 = arith.constant 0.000000e+00 : f32
      %broadcast_in_dim3A_126 = vector.broadcast %jit3A_125 : f32 to vector<16xf32>
      %select_n3A_127 = arith.select %gt3A_114, %broadcast_in_dim3A_126, %get3A_113 : vector<16xi1>, vector<16xf32>
      %max3A_128 = arith.maximumf %max3A_109, %select_n3A_127 : vector<16xf32>
      %add3A_129 = arith.constant 64 : i32
      %add3A_130 = arith.addi %multiple_of3A, %add3A_129 : i32
      %get3A_131 = arith.index_cast %add3A_130 : i32 to index
      %get3A_132 = tpu.vector_load %arg5[%get3A_131] {strides = array<i32>} : memref<8960xf32, #tpu.memory_space<vmem>>, vector<16xf32>,
      %gt3A_133 = arith.cmpf ogt, %get3A_132, %bitcast3A_27 : vector<16xf32>
      %jit3A_134 = arith.constant 0.000000e+00 : f32
      %broadcast_in_dim3A_135 = vector.broadcast %jit3A_134 : f32 to vector<16xf32>
      %select_n3A_136 = arith.select %gt3A_133, %get3A_132, %broadcast_in_dim3A_135 : vector<16xi1>, vector<16xf32>
      %add3A_137 = arith.addf %add3A_118, %select_n3A_136 : vector<16xf32>
      %jit3A_138 = arith.constant 1.000000e+00 : f32
      %jit3A_139 = arith.constant 0.000000e+00 : f32
      %broadcast_in_dim3A_140 = vector.broadcast %jit3A_138 : f32 to vector<16xf32>
      %broadcast_in_dim3A_141 = vector.broadcast %jit3A_139 : f32 to vector<16xf32>
      %select_n3A_142 = arith.select %gt3A_133, %broadcast_in_dim3A_140, %broadcast_in_dim3A_141 : vector<16xi1>, vector<16xf32>
      %add3A_143 = arith.addf %add3A_124, %select_n3A_142 : vector<16xf32>
      %jit3A_144 = arith.constant 0.000000e+00 : f32
      %broadcast_in_dim3A_145 = vector.broadcast %jit3A_144 : f32 to vector<16xf32>
      %select_n3A_146 = arith.select %gt3A_133, %broadcast_in_dim3A_145, %get3A_132 : vector<16xi1>, vector<16xf32>
      %max3A_147 = arith.maximumf %max3A_128, %select_n3A_146 : vector<16xf32>
      %add3A_148 = arith.constant 80 : i32
      %add3A_149 = arith.addi %multiple_of3A, %add3A_148 : i32
      %get3A_150 = arith.index_cast %add3A_149 : i32 to index
      %get3A_151 = tpu.vector_load %arg5[%get3A_150] {strides = array<i32>} : memref<8960xf32, #tpu.memory_space<vmem>>, vector<16xf32>,
      %gt3A_152 = arith.cmpf ogt, %get3A_151, %bitcast3A_27 : vector<16xf32>
      %jit3A_153 = arith.constant 0.000000e+00 : f32
      %broadcast_in_dim3A_154 = vector.broadcast %jit3A_153 : f32 to vector<16xf32>
      %select_n3A_155 = arith.select %gt3A_152, %get3A_151, %broadcast_in_dim3A_154 : vector<16xi1>, vector<16xf32>
      %add3A_156 = arith.addf %add3A_137, %select_n3A_155 : vector<16xf32>
      %jit3A_157 = arith.constant 1.000000e+00 : f32
      %jit3A_158 = arith.constant 0.000000e+00 : f32
      %broadcast_in_dim3A_159 = vector.broadcast %jit3A_157 : f32 to vector<16xf32>
      %broadcast_in_dim3A_160 = vector.broadcast %jit3A_158 : f32 to vector<16xf32>
      %select_n3A_161 = arith.select %gt3A_152, %broadcast_in_dim3A_159, %broadcast_in_dim3A_160 : vector<16xi1>, vector<16xf32>
      %add3A_162 = arith.addf %add3A_143, %select_n3A_161 : vector<16xf32>
      %jit3A_163 = arith.constant 0.000000e+00 : f32
      %broadcast_in_dim3A_164 = vector.broadcast %jit3A_163 : f32 to vector<16xf32>
      %select_n3A_165 = arith.select %gt3A_152, %broadcast_in_dim3A_164, %get3A_151 : vector<16xi1>, vector<16xf32>
      %max3A_166 = arith.maximumf %max3A_147, %select_n3A_165 : vector<16xf32>
      %add3A_167 = arith.constant 96 : i32
      %add3A_168 = arith.addi %multiple_of3A, %add3A_167 : i32
      %get3A_169 = arith.index_cast %add3A_168 : i32 to index
      %get3A_170 = tpu.vector_load %arg5[%get3A_169] {strides = array<i32>} : memref<8960xf32, #tpu.memory_space<vmem>>, vector<16xf32>,
      %gt3A_171 = arith.cmpf ogt, %get3A_170, %bitcast3A_27 : vector<16xf32>
      %jit3A_172 = arith.constant 0.000000e+00 : f32
      %broadcast_in_dim3A_173 = vector.broadcast %jit3A_172 : f32 to vector<16xf32>
      %select_n3A_174 = arith.select %gt3A_171, %get3A_170, %broadcast_in_dim3A_173 : vector<16xi1>, vector<16xf32>
      %add3A_175 = arith.addf %add3A_156, %select_n3A_174 : vector<16xf32>
      %jit3A_176 = arith.constant 1.000000e+00 : f32
      %jit3A_177 = arith.constant 0.000000e+00 : f32
      %broadcast_in_dim3A_178 = vector.broadcast %jit3A_176 : f32 to vector<16xf32>
      %broadcast_in_dim3A_179 = vector.broadcast %jit3A_177 : f32 to vector<16xf32>
      %select_n3A_180 = arith.select %gt3A_171, %broadcast_in_dim3A_178, %broadcast_in_dim3A_179 : vector<16xi1>, vector<16xf32>
      %add3A_181 = arith.addf %add3A_162, %select_n3A_180 : vector<16xf32>
      %jit3A_182 = arith.constant 0.000000e+00 : f32
      %broadcast_in_dim3A_183 = vector.broadcast %jit3A_182 : f32 to vector<16xf32>
      %select_n3A_184 = arith.select %gt3A_171, %broadcast_in_dim3A_183, %get3A_170 : vector<16xi1>, vector<16xf32>
      %max3A_185 = arith.maximumf %max3A_166, %select_n3A_184 : vector<16xf32>
      %add3A_186 = arith.constant 112 : i32
      %add3A_187 = arith.addi %multiple_of3A, %add3A_186 : i32
      %get3A_188 = arith.index_cast %add3A_187 : i32 to index
      %get3A_189 = tpu.vector_load %arg5[%get3A_188] {strides = array<i32>} : memref<8960xf32, #tpu.memory_space<vmem>>, vector<16xf32>,
      %gt3A_190 = arith.cmpf ogt, %get3A_189, %bitcast3A_27 : vector<16xf32>
      %jit3A_191 = arith.constant 0.000000e+00 : f32
      %broadcast_in_dim3A_192 = vector.broadcast %jit3A_191 : f32 to vector<16xf32>
      %select_n3A_193 = arith.select %gt3A_190, %get3A_189, %broadcast_in_dim3A_192 : vector<16xi1>, vector<16xf32>
      %add3A_194 = arith.addf %add3A_175, %select_n3A_193 : vector<16xf32>
      %jit3A_195 = arith.constant 1.000000e+00 : f32
      %jit3A_196 = arith.constant 0.000000e+00 : f32
      %broadcast_in_dim3A_197 = vector.broadcast %jit3A_195 : f32 to vector<16xf32>
      %broadcast_in_dim3A_198 = vector.broadcast %jit3A_196 : f32 to vector<16xf32>
      %select_n3A_199 = arith.select %gt3A_190, %broadcast_in_dim3A_197, %broadcast_in_dim3A_198 : vector<16xi1>, vector<16xf32>
      %add3A_200 = arith.addf %add3A_181, %select_n3A_199 : vector<16xf32>
      %jit3A_201 = arith.constant 0.000000e+00 : f32
      %broadcast_in_dim3A_202 = vector.broadcast %jit3A_201 : f32 to vector<16xf32>
      %select_n3A_203 = arith.select %gt3A_190, %broadcast_in_dim3A_202, %get3A_189 : vector<16xi1>, vector<16xf32>
      %max3A_204 = arith.maximumf %max3A_185, %select_n3A_203 : vector<16xf32>
      %add3A_205 = arith.constant 128 : i32
      %add3A_206 = arith.addi %multiple_of3A, %add3A_205 : i32
      %get3A_207 = arith.index_cast %add3A_206 : i32 to index
      %get3A_208 = tpu.vector_load %arg5[%get3A_207] {strides = array<i32>} : memref<8960xf32, #tpu.memory_space<vmem>>, vector<16xf32>,
      %gt3A_209 = arith.cmpf ogt, %get3A_208, %bitcast3A_27 : vector<16xf32>
      %jit3A_210 = arith.constant 0.000000e+00 : f32
      %broadcast_in_dim3A_211 = vector.broadcast %jit3A_210 : f32 to vector<16xf32>
      %select_n3A_212 = arith.select %gt3A_209, %get3A_208, %broadcast_in_dim3A_211 : vector<16xi1>, vector<16xf32>
      %add3A_213 = arith.addf %add3A_194, %select_n3A_212 : vector<16xf32>
      %jit3A_214 = arith.constant 1.000000e+00 : f32
      %jit3A_215 = arith.constant 0.000000e+00 : f32
      %broadcast_in_dim3A_216 = vector.broadcast %jit3A_214 : f32 to vector<16xf32>
      %broadcast_in_dim3A_217 = vector.broadcast %jit3A_215 : f32 to vector<16xf32>
      %select_n3A_218 = arith.select %gt3A_209, %broadcast_in_dim3A_216, %broadcast_in_dim3A_217 : vector<16xi1>, vector<16xf32>
      %add3A_219 = arith.addf %add3A_200, %select_n3A_218 : vector<16xf32>
      %jit3A_220 = arith.constant 0.000000e+00 : f32
      %broadcast_in_dim3A_221 = vector.broadcast %jit3A_220 : f32 to vector<16xf32>
      %select_n3A_222 = arith.select %gt3A_209, %broadcast_in_dim3A_221, %get3A_208 : vector<16xi1>, vector<16xf32>
      %max3A_223 = arith.maximumf %max3A_204, %select_n3A_222 : vector<16xf32>
      %add3A_224 = arith.constant 144 : i32
      %add3A_225 = arith.addi %multiple_of3A, %add3A_224 : i32
      %get3A_226 = arith.index_cast %add3A_225 : i32 to index
      %get3A_227 = tpu.vector_load %arg5[%get3A_226] {strides = array<i32>} : memref<8960xf32, #tpu.memory_space<vmem>>, vector<16xf32>,
      %gt3A_228 = arith.cmpf ogt, %get3A_227, %bitcast3A_27 : vector<16xf32>
      %jit3A_229 = arith.constant 0.000000e+00 : f32
      %broadcast_in_dim3A_230 = vector.broadcast %jit3A_229 : f32 to vector<16xf32>
      %select_n3A_231 = arith.select %gt3A_228, %get3A_227, %broadcast_in_dim3A_230 : vector<16xi1>, vector<16xf32>
      %add3A_232 = arith.addf %add3A_213, %select_n3A_231 : vector<16xf32>
      %jit3A_233 = arith.constant 1.000000e+00 : f32
      %jit3A_234 = arith.constant 0.000000e+00 : f32
      %broadcast_in_dim3A_235 = vector.broadcast %jit3A_233 : f32 to vector<16xf32>
      %broadcast_in_dim3A_236 = vector.broadcast %jit3A_234 : f32 to vector<16xf32>
      %select_n3A_237 = arith.select %gt3A_228, %broadcast_in_dim3A_235, %broadcast_in_dim3A_236 : vector<16xi1>, vector<16xf32>
      %add3A_238 = arith.addf %add3A_219, %select_n3A_237 : vector<16xf32>
      %jit3A_239 = arith.constant 0.000000e+00 : f32
      %broadcast_in_dim3A_240 = vector.broadcast %jit3A_239 : f32 to vector<16xf32>
      %select_n3A_241 = arith.select %gt3A_228, %broadcast_in_dim3A_240, %get3A_227 : vector<16xi1>, vector<16xf32>
      %max3A_242 = arith.maximumf %max3A_223, %select_n3A_241 : vector<16xf32>
      %add3A_243 = arith.constant 160 : i32
      %add3A_244 = arith.addi %multiple_of3A, %add3A_243 : i32
      %get3A_245 = arith.index_cast %add3A_244 : i32 to index
      %get3A_246 = tpu.vector_load %arg5[%get3A_245] {strides = array<i32>} : memref<8960xf32, #tpu.memory_space<vmem>>, vector<16xf32>,
      %gt3A_247 = arith.cmpf ogt, %get3A_246, %bitcast3A_27 : vector<16xf32>
      %jit3A_248 = arith.constant 0.000000e+00 : f32
      %broadcast_in_dim3A_249 = vector.broadcast %jit3A_248 : f32 to vector<16xf32>
      %select_n3A_250 = arith.select %gt3A_247, %get3A_246, %broadcast_in_dim3A_249 : vector<16xi1>, vector<16xf32>
      %add3A_251 = arith.addf %add3A_232, %select_n3A_250 : vector<16xf32>
      %jit3A_252 = arith.constant 1.000000e+00 : f32
      %jit3A_253 = arith.constant 0.000000e+00 : f32
      %broadcast_in_dim3A_254 = vector.broadcast %jit3A_252 : f32 to vector<16xf32>
      %broadcast_in_dim3A_255 = vector.broadcast %jit3A_253 : f32 to vector<16xf32>
      %select_n3A_256 = arith.select %gt3A_247, %broadcast_in_dim3A_254, %broadcast_in_dim3A_255 : vector<16xi1>, vector<16xf32>
      %add3A_257 = arith.addf %add3A_238, %select_n3A_256 : vector<16xf32>
      %jit3A_258 = arith.constant 0.000000e+00 : f32
      %broadcast_in_dim3A_259 = vector.broadcast %jit3A_258 : f32 to vector<16xf32>
      %select_n3A_260 = arith.select %gt3A_247, %broadcast_in_dim3A_259, %get3A_246 : vector<16xi1>, vector<16xf32>
      %max3A_261 = arith.maximumf %max3A_242, %select_n3A_260 : vector<16xf32>
      %add3A_262 = arith.constant 176 : i32
      %add3A_263 = arith.addi %multiple_of3A, %add3A_262 : i32
      %get3A_264 = arith.index_cast %add3A_263 : i32 to index
      %get3A_265 = tpu.vector_load %arg5[%get3A_264] {strides = array<i32>} : memref<8960xf32, #tpu.memory_space<vmem>>, vector<16xf32>,
      %gt3A_266 = arith.cmpf ogt, %get3A_265, %bitcast3A_27 : vector<16xf32>
      %jit3A_267 = arith.constant 0.000000e+00 : f32
      %broadcast_in_dim3A_268 = vector.broadcast %jit3A_267 : f32 to vector<16xf32>
      %select_n3A_269 = arith.select %gt3A_266, %get3A_265, %broadcast_in_dim3A_268 : vector<16xi1>, vector<16xf32>
      %add3A_270 = arith.addf %add3A_251, %select_n3A_269 : vector<16xf32>
      %jit3A_271 = arith.constant 1.000000e+00 : f32
      %jit3A_272 = arith.constant 0.000000e+00 : f32
      %broadcast_in_dim3A_273 = vector.broadcast %jit3A_271 : f32 to vector<16xf32>
      %broadcast_in_dim3A_274 = vector.broadcast %jit3A_272 : f32 to vector<16xf32>
      %select_n3A_275 = arith.select %gt3A_266, %broadcast_in_dim3A_273, %broadcast_in_dim3A_274 : vector<16xi1>, vector<16xf32>
      %add3A_276 = arith.addf %add3A_257, %select_n3A_275 : vector<16xf32>
      %jit3A_277 = arith.constant 0.000000e+00 : f32
      %broadcast_in_dim3A_278 = vector.broadcast %jit3A_277 : f32 to vector<16xf32>
      %select_n3A_279 = arith.select %gt3A_266, %broadcast_in_dim3A_278, %get3A_265 : vector<16xi1>, vector<16xf32>
      %max3A_280 = arith.maximumf %max3A_261, %select_n3A_279 : vector<16xf32>
      %add3A_281 = arith.constant 192 : i32
      %add3A_282 = arith.addi %multiple_of3A, %add3A_281 : i32
      %get3A_283 = arith.index_cast %add3A_282 : i32 to index
      %get3A_284 = tpu.vector_load %arg5[%get3A_283] {strides = array<i32>} : memref<8960xf32, #tpu.memory_space<vmem>>, vector<16xf32>,
      %gt3A_285 = arith.cmpf ogt, %get3A_284, %bitcast3A_27 : vector<16xf32>
      %jit3A_286 = arith.constant 0.000000e+00 : f32
      %broadcast_in_dim3A_287 = vector.broadcast %jit3A_286 : f32 to vector<16xf32>
      %select_n3A_288 = arith.select %gt3A_285, %get3A_284, %broadcast_in_dim3A_287 : vector<16xi1>, vector<16xf32>
      %add3A_289 = arith.addf %add3A_270, %select_n3A_288 : vector<16xf32>
      %jit3A_290 = arith.constant 1.000000e+00 : f32
      %jit3A_291 = arith.constant 0.000000e+00 : f32
      %broadcast_in_dim3A_292 = vector.broadcast %jit3A_290 : f32 to vector<16xf32>
      %broadcast_in_dim3A_293 = vector.broadcast %jit3A_291 : f32 to vector<16xf32>
      %select_n3A_294 = arith.select %gt3A_285, %broadcast_in_dim3A_292, %broadcast_in_dim3A_293 : vector<16xi1>, vector<16xf32>
      %add3A_295 = arith.addf %add3A_276, %select_n3A_294 : vector<16xf32>
      %jit3A_296 = arith.constant 0.000000e+00 : f32
      %broadcast_in_dim3A_297 = vector.broadcast %jit3A_296 : f32 to vector<16xf32>
      %select_n3A_298 = arith.select %gt3A_285, %broadcast_in_dim3A_297, %get3A_284 : vector<16xi1>, vector<16xf32>
      %max3A_299 = arith.maximumf %max3A_280, %select_n3A_298 : vector<16xf32>
      %add3A_300 = arith.constant 208 : i32
      %add3A_301 = arith.addi %multiple_of3A, %add3A_300 : i32
      %get3A_302 = arith.index_cast %add3A_301 : i32 to index
      %get3A_303 = tpu.vector_load %arg5[%get3A_302] {strides = array<i32>} : memref<8960xf32, #tpu.memory_space<vmem>>, vector<16xf32>,
      %gt3A_304 = arith.cmpf ogt, %get3A_303, %bitcast3A_27 : vector<16xf32>
      %jit3A_305 = arith.constant 0.000000e+00 : f32
      %broadcast_in_dim3A_306 = vector.broadcast %jit3A_305 : f32 to vector<16xf32>
      %select_n3A_307 = arith.select %gt3A_304, %get3A_303, %broadcast_in_dim3A_306 : vector<16xi1>, vector<16xf32>
      %add3A_308 = arith.addf %add3A_289, %select_n3A_307 : vector<16xf32>
      %jit3A_309 = arith.constant 1.000000e+00 : f32
      %jit3A_310 = arith.constant 0.000000e+00 : f32
      %broadcast_in_dim3A_311 = vector.broadcast %jit3A_309 : f32 to vector<16xf32>
      %broadcast_in_dim3A_312 = vector.broadcast %jit3A_310 : f32 to vector<16xf32>
      %select_n3A_313 = arith.select %gt3A_304, %broadcast_in_dim3A_311, %broadcast_in_dim3A_312 : vector<16xi1>, vector<16xf32>
      %add3A_314 = arith.addf %add3A_295, %select_n3A_313 : vector<16xf32>
      %jit3A_315 = arith.constant 0.000000e+00 : f32
      %broadcast_in_dim3A_316 = vector.broadcast %jit3A_315 : f32 to vector<16xf32>
      %select_n3A_317 = arith.select %gt3A_304, %broadcast_in_dim3A_316, %get3A_303 : vector<16xi1>, vector<16xf32>
      %max3A_318 = arith.maximumf %max3A_299, %select_n3A_317 : vector<16xf32>
      %add3A_319 = arith.constant 224 : i32
      %add3A_320 = arith.addi %multiple_of3A, %add3A_319 : i32
      %get3A_321 = arith.index_cast %add3A_320 : i32 to index
      %get3A_322 = tpu.vector_load %arg5[%get3A_321] {strides = array<i32>} : memref<8960xf32, #tpu.memory_space<vmem>>, vector<16xf32>,
      %gt3A_323 = arith.cmpf ogt, %get3A_322, %bitcast3A_27 : vector<16xf32>
      %jit3A_324 = arith.constant 0.000000e+00 : f32
      %broadcast_in_dim3A_325 = vector.broadcast %jit3A_324 : f32 to vector<16xf32>
      %select_n3A_326 = arith.select %gt3A_323, %get3A_322, %broadcast_in_dim3A_325 : vector<16xi1>, vector<16xf32>
      %add3A_327 = arith.addf %add3A_308, %select_n3A_326 : vector<16xf32>
      %jit3A_328 = arith.constant 1.000000e+00 : f32
      %jit3A_329 = arith.constant 0.000000e+00 : f32
      %broadcast_in_dim3A_330 = vector.broadcast %jit3A_328 : f32 to vector<16xf32>
      %broadcast_in_dim3A_331 = vector.broadcast %jit3A_329 : f32 to vector<16xf32>
      %select_n3A_332 = arith.select %gt3A_323, %broadcast_in_dim3A_330, %broadcast_in_dim3A_331 : vector<16xi1>, vector<16xf32>
      %add3A_333 = arith.addf %add3A_314, %select_n3A_332 : vector<16xf32>
      %jit3A_334 = arith.constant 0.000000e+00 : f32
      %broadcast_in_dim3A_335 = vector.broadcast %jit3A_334 : f32 to vector<16xf32>
      %select_n3A_336 = arith.select %gt3A_323, %broadcast_in_dim3A_335, %get3A_322 : vector<16xi1>, vector<16xf32>
      %max3A_337 = arith.maximumf %max3A_318, %select_n3A_336 : vector<16xf32>
      %add3A_338 = arith.constant 240 : i32
      %add3A_339 = arith.addi %multiple_of3A, %add3A_338 : i32
      %get3A_340 = arith.index_cast %add3A_339 : i32 to index
      %get3A_341 = tpu.vector_load %arg5[%get3A_340] {strides = array<i32>} : memref<8960xf32, #tpu.memory_space<vmem>>, vector<16xf32>,
      %gt3A_342 = arith.cmpf ogt, %get3A_341, %bitcast3A_27 : vector<16xf32>
      %jit3A_343 = arith.constant 0.000000e+00 : f32
      %broadcast_in_dim3A_344 = vector.broadcast %jit3A_343 : f32 to vector<16xf32>
      %select_n3A_345 = arith.select %gt3A_342, %get3A_341, %broadcast_in_dim3A_344 : vector<16xi1>, vector<16xf32>
      %add3A_346 = arith.addf %add3A_327, %select_n3A_345 : vector<16xf32>
      %jit3A_347 = arith.constant 1.000000e+00 : f32
      %jit3A_348 = arith.constant 0.000000e+00 : f32
      %broadcast_in_dim3A_349 = vector.broadcast %jit3A_347 : f32 to vector<16xf32>
      %broadcast_in_dim3A_350 = vector.broadcast %jit3A_348 : f32 to vector<16xf32>
      %select_n3A_351 = arith.select %gt3A_342, %broadcast_in_dim3A_349, %broadcast_in_dim3A_350 : vector<16xi1>, vector<16xf32>
      %add3A_352 = arith.addf %add3A_333, %select_n3A_351 : vector<16xf32>
      %jit3A_353 = arith.constant 0.000000e+00 : f32
      %broadcast_in_dim3A_354 = vector.broadcast %jit3A_353 : f32 to vector<16xf32>
      %select_n3A_355 = arith.select %gt3A_342, %broadcast_in_dim3A_354, %get3A_341 : vector<16xi1>, vector<16xf32>
      %max3A_356 = arith.maximumf %max3A_337, %select_n3A_355 : vector<16xf32>
      scf.yield %add3A_346, %add3A_352, %max3A_356 : vector<16xf32>, vector<16xf32>, vector<16xf32>
    }
    %scan3A_35 = arith.constant 35 : i32
    %reduce_sum3A = arith.constant true
    %reduce_sum3A_36 = vector.broadcast %reduce_sum3A : i1 to vector<16xi1>
    %reduce_sum3A_37 = tpu.scan <sum>, %scan3A_34#0 masked %reduce_sum3A_36 : vector<16xf32>, vector<16xi1> -> vector<16xf32>
    %reduce_sum3A_38 = vector.extract %reduce_sum3A_37[15] : f32 from vector<16xf32>
    %reduce_sum3A_39 = arith.constant true
    %reduce_sum3A_40 = vector.broadcast %reduce_sum3A_39 : i1 to vector<16xi1>
    %reduce_sum3A_41 = tpu.scan <sum>, %scan3A_34#1 masked %reduce_sum3A_40 : vector<16xf32>, vector<16xi1> -> vector<16xf32>
    %reduce_sum3A_42 = vector.extract %reduce_sum3A_41[15] : f32 from vector<16xf32>
    %sub3A = arith.subf %reduce_max3A_4, %reduce_sum3A_42 : f32
    %reduce_max3A_43 = arith.constant true
    %reduce_max3A_44 = vector.broadcast %reduce_max3A_43 : i1 to vector<16xi1>
    %reduce_max3A_45 = tpu.scan <max>, %scan3A_34#2 masked %reduce_max3A_44 : vector<16xf32>, vector<16xi1> -> vector<16xf32>
    %reduce_max3A_46 = vector.extract %reduce_max3A_45[15] : f32 from vector<16xf32>
    %mul3A_47 = arith.mulf %sub3A, %reduce_max3A_46 : f32
    %add3A_48 = arith.addf %reduce_sum3A_38, %mul3A_47 : f32
    %broadcast_in_dim3A_49 = vector.broadcast %add3A_48 : f32 to vector<16xf32>
    %swap3A = arith.constant 0 : index
    %swap3A_50 = tpu.vector_load %arg7[%swap3A] {strides = array<i32>} : memref<16xf32, #tpu.memory_space<vmem>>, vector<16xf32>,
    tpu.vector_store %arg7[%swap3A], %broadcast_in_dim3A_49 {strides = array<i32>} : memref<16xf32, #tpu.memory_space<vmem>>, vector<16xf32>,
    "tpu.region"() ({
      %run_scoped3A = tpu.sem_alloc : memref<!tpu.dma_semaphore, #tpu.memory_space<semaphore_mem>>
      %dma_start3A = arith.constant 0 : i32
      %dma_start3A_51 = tpu.memref_slice %arg4[%add3A, %dma_start3A] : memref<32x16xf32, #tpu.memory_space<hbm>> -> memref<1x16xf32, #tpu.memory_space<hbm>>
      %dma_start3A_52 = tpu.memref_squeeze %dma_start3A_51 : memref<1x16xf32, #tpu.memory_space<hbm>> -> memref<16xf32, #tpu.memory_space<hbm>>
      %dma_start3A_53 = arith.constant 0 : i32
      %dma_start3A_54 = tpu.memref_slice %arg4[%add3A, %dma_start3A_53] : memref<32x16xf32, #tpu.memory_space<hbm>> -> memref<1x16xf32, #tpu.memory_space<hbm>>
      %dma_start3A_55 = tpu.memref_squeeze %dma_start3A_54 : memref<1x16xf32, #tpu.memory_space<hbm>> -> memref<16xf32, #tpu.memory_space<hbm>>
      tpu.enqueue_dma source(%arg7 : memref<16xf32, #tpu.memory_space<vmem>>) target(%dma_start3A_55 : memref<16xf32, #tpu.memory_space<hbm>>) target_semaphore(%run_scoped3A : memref<!tpu.dma_semaphore, #tpu.memory_space<semaphore_mem>>)
      %dma_wait3A = arith.constant 0 : i32
      %dma_wait3A_56 = tpu.memref_slice %arg4[%add3A, %dma_wait3A] : memref<32x16xf32, #tpu.memory_space<hbm>> -> memref<1x16xf32, #tpu.memory_space<hbm>>
      %dma_wait3A_57 = tpu.memref_squeeze %dma_wait3A_56 : memref<1x16xf32, #tpu.memory_space<hbm>> -> memref<16xf32, #tpu.memory_space<hbm>>
      %dma_wait3A_58 = arith.constant 0 : i32
      %dma_wait3A_59 = tpu.memref_slice %arg4[%add3A, %dma_wait3A_58] : memref<32x16xf32, #tpu.memory_space<hbm>> -> memref<1x16xf32, #tpu.memory_space<hbm>>
      %dma_wait3A_60 = tpu.memref_squeeze %dma_wait3A_59 : memref<1x16xf32, #tpu.memory_space<hbm>> -> memref<16xf32, #tpu.memory_space<hbm>>
      tpu.wait_dma2 semaphore(%run_scoped3A : memref<!tpu.dma_semaphore, #tpu.memory_space<semaphore_mem>>) src(%arg7 : memref<16xf32, #tpu.memory_space<vmem>>) dst(%dma_wait3A_60 : memref<16xf32, #tpu.memory_space<hbm>>)
      tpu.yield
    }) : () -> ()
    return
  }
}

module attributes {stable_mosaic.version = 14 : i64} {
  func.func @_mbox_kernel(%arg0: i32, %arg1: memref<1x21x8960xf32, #tpu.memory_space<vmem>>, %arg2: memref<1x4x8960xf32, #tpu.memory_space<vmem>>, %arg3: memref<4x8960xf32, #tpu.memory_space<vmem>>, %arg4: memref<1x10x5xf32, #tpu.memory_space<vmem>>, %arg5: memref<8x128xf32, #tpu.memory_space<vmem>>, %arg6: memref<1x1x8960xf32, #tpu.memory_space<vmem>>, %arg7: memref<1x1x128xf32, #tpu.memory_space<vmem>>) attributes {dimension_semantics = [#tpu.dimension_semantics<arbitrary>], iteration_bounds = array<i64: 32>, scalar_prefetch = 0 : i64, scratch_operands = 0 : i64, tpu.core_type = #tpu.core_type<tc>, window_params = [{transform_indices = @transform_0, window_bounds = array<i64: 1, 21, 8960>}, {transform_indices = @transform_1, window_bounds = array<i64: 1, 4, 8960>}, {pipeline_mode = #tpu.pipeline_mode<synchronous>, transform_indices = @transform_2, window_bounds = array<i64: 4, 8960>}, {transform_indices = @transform_3, window_bounds = array<i64: 1, 10, 5>}, {pipeline_mode = #tpu.pipeline_mode<synchronous>, transform_indices = @transform_4, window_bounds = array<i64: 8, 128>}, {transform_indices = @transform_5, window_bounds = array<i64: 1, 1, 8960>}, {transform_indices = @transform_6, window_bounds = array<i64: 1, 1, 128>}]} {
    %iota3A = tpu.iota {dimensions = array<i32: 1>} : vector<1x8960xi32>
    %ge3A = arith.constant 8732 : i32
    %ge3A_0 = vector.broadcast %ge3A : i32 to vector<1x8960xi32>
    %ge3A_1 = arith.cmpi sge, %iota3A, %ge3A_0 : vector<1x8960xi32>
    %get3A = arith.constant 0 : index
    %get3A_2 = arith.constant 0 : index
    %get3A_3 = arith.constant 0 : index
    %get3A_4 = vector.load %arg4[%get3A, %get3A_2, %get3A_3] : memref<1x10x5xf32, #tpu.memory_space<vmem>>, vector<1x10x5xf32>
    %get3A_5 = vector.shape_cast %get3A_4 : vector<1x10x5xf32> to vector<10x5xf32>
    %slice3A = vector.extract_strided_slice %get3A_5 {offsets = [0, 0], sizes = [10, 1], strides = [1, 1]} : vector<10x5xf32> to vector<10x1xf32>
    %slice3A_6 = vector.extract_strided_slice %get3A_5 {offsets = [0, 1], sizes = [10, 1], strides = [1, 1]} : vector<10x5xf32> to vector<10x1xf32>
    %slice3A_7 = vector.extract_strided_slice %get3A_5 {offsets = [0, 2], sizes = [10, 1], strides = [1, 1]} : vector<10x5xf32> to vector<10x1xf32>
    %slice3A_8 = vector.extract_strided_slice %get3A_5 {offsets = [0, 3], sizes = [10, 1], strides = [1, 1]} : vector<10x5xf32> to vector<10x1xf32>
    %get3A_9 = arith.constant 0 : index
    %get3A_10 = arith.constant 0 : index
    %get3A_11 = vector.load %arg3[%get3A_9, %get3A_10] : memref<4x8960xf32, #tpu.memory_space<vmem>>, vector<1x8960xf32>
    %get3A_12 = arith.constant 1 : index
    %get3A_13 = arith.constant 0 : index
    %get3A_14 = vector.load %arg3[%get3A_12, %get3A_13] : memref<4x8960xf32, #tpu.memory_space<vmem>>, vector<1x8960xf32>
    %get3A_15 = arith.constant 2 : index
    %get3A_16 = arith.constant 0 : index
    %get3A_17 = vector.load %arg3[%get3A_15, %get3A_16] : memref<4x8960xf32, #tpu.memory_space<vmem>>, vector<1x8960xf32>
    %get3A_18 = arith.constant 3 : index
    %get3A_19 = arith.constant 0 : index
    %get3A_20 = vector.load %arg3[%get3A_18, %get3A_19] : memref<4x8960xf32, #tpu.memory_space<vmem>>, vector<1x8960xf32>
    %mul3A = arith.constant 5.000000e-01 : f32
    %mul3A_21 = vector.broadcast %mul3A : f32 to vector<1x8960xf32>
    %mul3A_22 = arith.mulf %get3A_17, %mul3A_21 : vector<1x8960xf32>
    %sub3A = arith.subf %get3A_11, %mul3A_22 : vector<1x8960xf32>
    %mul3A_23 = arith.constant 5.000000e-01 : f32
    %mul3A_24 = vector.broadcast %mul3A_23 : f32 to vector<1x8960xf32>
    %mul3A_25 = arith.mulf %get3A_20, %mul3A_24 : vector<1x8960xf32>
    %sub3A_26 = arith.subf %get3A_14, %mul3A_25 : vector<1x8960xf32>
    %mul3A_27 = arith.constant 5.000000e-01 : f32
    %mul3A_28 = vector.broadcast %mul3A_27 : f32 to vector<1x8960xf32>
    %mul3A_29 = arith.mulf %get3A_17, %mul3A_28 : vector<1x8960xf32>
    %add3A = arith.addf %get3A_11, %mul3A_29 : vector<1x8960xf32>
    %mul3A_30 = arith.constant 5.000000e-01 : f32
    %mul3A_31 = vector.broadcast %mul3A_30 : f32 to vector<1x8960xf32>
    %mul3A_32 = arith.mulf %get3A_20, %mul3A_31 : vector<1x8960xf32>
    %add3A_33 = arith.addf %get3A_14, %mul3A_32 : vector<1x8960xf32>
    %min3A = vector.broadcast %slice3A_7 : vector<10x1xf32> to vector<10x8960xf32>
    %min3A_34 = vector.broadcast %add3A : vector<1x8960xf32> to vector<10x8960xf32>
    %min3A_35 = arith.minimumf %min3A, %min3A_34 : vector<10x8960xf32>
    %max3A = vector.broadcast %slice3A : vector<10x1xf32> to vector<10x8960xf32>
    %max3A_36 = vector.broadcast %sub3A : vector<1x8960xf32> to vector<10x8960xf32>
    %max3A_37 = arith.maximumf %max3A, %max3A_36 : vector<10x8960xf32>
    %sub3A_38 = arith.subf %min3A_35, %max3A_37 : vector<10x8960xf32>
    %max3A_39 = arith.constant 0.000000e+00 : f32
    %max3A_40 = vector.broadcast %max3A_39 : f32 to vector<10x8960xf32>
    %max3A_41 = arith.maximumf %sub3A_38, %max3A_40 : vector<10x8960xf32>
    %min3A_42 = vector.broadcast %slice3A_8 : vector<10x1xf32> to vector<10x8960xf32>
    %min3A_43 = vector.broadcast %add3A_33 : vector<1x8960xf32> to vector<10x8960xf32>
    %min3A_44 = arith.minimumf %min3A_42, %min3A_43 : vector<10x8960xf32>
    %max3A_45 = vector.broadcast %slice3A_6 : vector<10x1xf32> to vector<10x8960xf32>
    %max3A_46 = vector.broadcast %sub3A_26 : vector<1x8960xf32> to vector<10x8960xf32>
    %max3A_47 = arith.maximumf %max3A_45, %max3A_46 : vector<10x8960xf32>
    %sub3A_48 = arith.subf %min3A_44, %max3A_47 : vector<10x8960xf32>
    %max3A_49 = arith.constant 0.000000e+00 : f32
    %max3A_50 = vector.broadcast %max3A_49 : f32 to vector<10x8960xf32>
    %max3A_51 = arith.maximumf %sub3A_48, %max3A_50 : vector<10x8960xf32>
    %mul3A_52 = arith.mulf %max3A_41, %max3A_51 : vector<10x8960xf32>
    %sub3A_53 = arith.subf %slice3A_7, %slice3A : vector<10x1xf32>
    %sub3A_54 = arith.subf %slice3A_8, %slice3A_6 : vector<10x1xf32>
    %mul3A_55 = arith.mulf %sub3A_53, %sub3A_54 : vector<10x1xf32>
    %sub3A_56 = arith.subf %add3A, %sub3A : vector<1x8960xf32>
    %sub3A_57 = arith.subf %add3A_33, %sub3A_26 : vector<1x8960xf32>
    %mul3A_58 = arith.mulf %sub3A_56, %sub3A_57 : vector<1x8960xf32>
    %add3A_59 = vector.broadcast %mul3A_55 : vector<10x1xf32> to vector<10x8960xf32>
    %add3A_60 = vector.broadcast %mul3A_58 : vector<1x8960xf32> to vector<10x8960xf32>
    %add3A_61 = arith.addf %add3A_59, %add3A_60 : vector<10x8960xf32>
    %sub3A_62 = arith.subf %add3A_61, %mul3A_52 : vector<10x8960xf32>
    %div3A = arith.divf %mul3A_52, %sub3A_62 : vector<10x8960xf32>
    %broadcast_in_dim3A = vector.shape_cast %ge3A_1 : vector<1x8960xi1> to vector<1x8960xi1>
    %broadcast_in_dim3A_63 = vector.broadcast %broadcast_in_dim3A : vector<1x8960xi1> to vector<10x8960xi1>
    %jit3A = arith.constant -1.000000e+00 : f32
    %broadcast_in_dim3A_64 = vector.broadcast %jit3A : f32 to vector<10x8960xf32>
    %select_n3A = arith.select %broadcast_in_dim3A_63, %broadcast_in_dim3A_64, %div3A : vector<10x8960xi1>, vector<10x8960xf32>
    %iota3A_65 = tpu.iota {dimensions = array<i32: 0>} : vector<10x8960xi32>
    %iota3A_66 = tpu.iota {dimensions = array<i32: 1>} : vector<10x8960xi32>
    %reduce_max3A = arith.constant dense<0xFF800000> : vector<8960xf32>
    %reduce_max3A_67 = vector.multi_reduction <maximumf>, %select_n3A, %reduce_max3A [0] : vector<10x8960xf32> to vector<8960xf32>
    %broadcast_in_dim3A_68 = vector.shape_cast %reduce_max3A_67 : vector<8960xf32> to vector<1x8960xf32>
    %eq3A = vector.broadcast %broadcast_in_dim3A_68 : vector<1x8960xf32> to vector<10x8960xf32>
    %eq3A_69 = arith.cmpf oeq, %select_n3A, %eq3A : vector<10x8960xf32>
    %jit3A_70 = arith.constant 10 : i32
    %broadcast_in_dim3A_71 = vector.broadcast %jit3A_70 : i32 to vector<10x8960xi32>
    %select_n3A_72 = arith.select %eq3A_69, %iota3A_65, %broadcast_in_dim3A_71 : vector<10x8960xi1>, vector<10x8960xi32>
    %reduce_min3A = arith.constant dense<2147483647> : vector<8960xi32>
    %reduce_min3A_73 = vector.multi_reduction <minsi>, %select_n3A_72, %reduce_min3A [0] : vector<10x8960xi32> to vector<8960xi32>
    %broadcast_in_dim3A_74 = vector.shape_cast %reduce_min3A_73 : vector<8960xi32> to vector<1x8960xi32>
    %reduce_max3A_75 = arith.constant dense<0xFF800000> : vector<10xf32>
    %reduce_max3A_76 = vector.multi_reduction <maximumf>, %select_n3A, %reduce_max3A_75 [1] : vector<10x8960xf32> to vector<10xf32>
    %broadcast_in_dim3A_77 = vector.shape_cast %reduce_max3A_76 : vector<10xf32> to vector<10x1xf32>
    %eq3A_78 = vector.broadcast %broadcast_in_dim3A_77 : vector<10x1xf32> to vector<10x8960xf32>
    %eq3A_79 = arith.cmpf oeq, %select_n3A, %eq3A_78 : vector<10x8960xf32>
    %jit3A_80 = arith.constant 8960 : i32
    %broadcast_in_dim3A_81 = vector.broadcast %jit3A_80 : i32 to vector<10x8960xi32>
    %select_n3A_82 = arith.select %eq3A_79, %iota3A_66, %broadcast_in_dim3A_81 : vector<10x8960xi1>, vector<10x8960xi32>
    %reduce_min3A_83 = arith.constant dense<2147483647> : vector<10xi32>
    %reduce_min3A_84 = vector.multi_reduction <minsi>, %select_n3A_82, %reduce_min3A_83 [1] : vector<10x8960xi32> to vector<10xi32>
    %broadcast_in_dim3A_85 = vector.shape_cast %reduce_min3A_84 : vector<10xi32> to vector<10x1xi32>
    %eq3A_86 = vector.broadcast %broadcast_in_dim3A_85 : vector<10x1xi32> to vector<10x8960xi32>
    %eq3A_87 = arith.cmpi eq, %iota3A_66, %eq3A_86 : vector<10x8960xi32>
    %jit3A_88 = arith.constant -1 : i32
    %broadcast_in_dim3A_89 = vector.broadcast %jit3A_88 : i32 to vector<10x8960xi32>
    %select_n3A_90 = arith.select %eq3A_87, %iota3A_65, %broadcast_in_dim3A_89 : vector<10x8960xi1>, vector<10x8960xi32>
    %reduce_max3A_91 = arith.constant dense<-2147483648> : vector<8960xi32>
    %reduce_max3A_92 = vector.multi_reduction <maxsi>, %select_n3A_90, %reduce_max3A_91 [0] : vector<10x8960xi32> to vector<8960xi32>
    %broadcast_in_dim3A_93 = vector.shape_cast %reduce_max3A_92 : vector<8960xi32> to vector<1x8960xi32>
    %ge3A_94 = arith.constant 0 : i32
    %ge3A_95 = vector.broadcast %ge3A_94 : i32 to vector<1x8960xi32>
    %ge3A_96 = arith.cmpi sge, %broadcast_in_dim3A_93, %ge3A_95 : vector<1x8960xi32>
    %jit3A_97 = arith.constant 2.000000e+00 : f32
    %broadcast_in_dim3A_98 = vector.broadcast %jit3A_97 : f32 to vector<1x8960xf32>
    %select_n3A_99 = arith.select %ge3A_96, %broadcast_in_dim3A_98, %broadcast_in_dim3A_68 : vector<1x8960xi1>, vector<1x8960xf32>
    %ge3A_100 = arith.constant 0 : i32
    %ge3A_101 = vector.broadcast %ge3A_100 : i32 to vector<1x8960xi32>
    %ge3A_102 = arith.cmpi sge, %broadcast_in_dim3A_93, %ge3A_101 : vector<1x8960xi32>
    %select_n3A_103 = arith.select %ge3A_102, %broadcast_in_dim3A_93, %broadcast_in_dim3A_74 : vector<1x8960xi1>, vector<1x8960xi32>
    %eq3A_104 = vector.broadcast %select_n3A_103 : vector<1x8960xi32> to vector<10x8960xi32>
    %eq3A_105 = arith.cmpi eq, %eq3A_104, %iota3A_65 : vector<10x8960xi32>
    %convert_element_type3A = arith.extui %eq3A_105 : vector<10x8960xi1> to vector<10x8960xi32>
    %convert_element_type3A_106 = arith.sitofp %convert_element_type3A : vector<10x8960xi32> to vector<10x8960xf32>
    %dot_general3A = arith.constant dense<0.000000e+00> : vector<5x8960xf32>
    %dot_general3A_107 = tpu.matmul %get3A_5, %convert_element_type3A_106, %dot_general3A {dimension_numbers = #tpu.dot_dimension_numbers<[0], [0], [1], [1], [0, 1, 1, 1], [], []>, transpose_lhs_hint = false} : vector<10x5xf32>, vector<10x8960xf32>, vector<5x8960xf32> -> vector<5x8960xf32>
    %slice3A_108 = vector.extract_strided_slice %dot_general3A_107 {offsets = [0, 0], sizes = [1, 8960], strides = [1, 1]} : vector<5x8960xf32> to vector<1x8960xf32>
    %slice3A_109 = vector.extract_strided_slice %dot_general3A_107 {offsets = [1, 0], sizes = [1, 8960], strides = [1, 1]} : vector<5x8960xf32> to vector<1x8960xf32>
    %slice3A_110 = vector.extract_strided_slice %dot_general3A_107 {offsets = [2, 0], sizes = [1, 8960], strides = [1, 1]} : vector<5x8960xf32> to vector<1x8960xf32>
    %slice3A_111 = vector.extract_strided_slice %dot_general3A_107 {offsets = [3, 0], sizes = [1, 8960], strides = [1, 1]} : vector<5x8960xf32> to vector<1x8960xf32>
    %slice3A_112 = vector.extract_strided_slice %dot_general3A_107 {offsets = [4, 0], sizes = [1, 8960], strides = [1, 1]} : vector<5x8960xf32> to vector<1x8960xf32>
    %add3A_113 = arith.constant 5.000000e-01 : f32
    %add3A_114 = vector.broadcast %add3A_113 : f32 to vector<1x8960xf32>
    %add3A_115 = arith.addf %slice3A_112, %add3A_114 : vector<1x8960xf32>
    %floor3A = math.floor %add3A_115 : vector<1x8960xf32>
    %ge3A_116 = arith.constant 5.000000e-01 : f32
    %ge3A_117 = vector.broadcast %ge3A_116 : f32 to vector<1x8960xf32>
    %ge3A_118 = arith.cmpf oge, %select_n3A_99, %ge3A_117 : vector<1x8960xf32>
    %add3A_119 = arith.constant 1.000000e+00 : f32
    %add3A_120 = vector.broadcast %add3A_119 : f32 to vector<1x8960xf32>
    %add3A_121 = arith.addf %floor3A, %add3A_120 : vector<1x8960xf32>
    %jit3A_122 = arith.constant 0.000000e+00 : f32
    %broadcast_in_dim3A_123 = vector.broadcast %jit3A_122 : f32 to vector<1x8960xf32>
    %select_n3A_124 = arith.select %ge3A_118, %add3A_121, %broadcast_in_dim3A_123 : vector<1x8960xi1>, vector<1x8960xf32>
    %convert_element_type3A_125 = arith.extui %ge3A_118 : vector<1x8960xi1> to vector<1x8960xi32>
    %convert_element_type3A_126 = arith.sitofp %convert_element_type3A_125 : vector<1x8960xi32> to vector<1x8960xf32>
    %add3A_127 = arith.addf %slice3A_108, %slice3A_110 : vector<1x8960xf32>
    %mul3A_128 = arith.constant 5.000000e-01 : f32
    %mul3A_129 = vector.broadcast %mul3A_128 : f32 to vector<1x8960xf32>
    %mul3A_130 = arith.mulf %add3A_127, %mul3A_129 : vector<1x8960xf32>
    %sub3A_131 = arith.subf %mul3A_130, %get3A_11 : vector<1x8960xf32>
    %mul3A_132 = arith.constant 1.000000e-01 : f32
    %mul3A_133 = vector.broadcast %mul3A_132 : f32 to vector<1x8960xf32>
    %mul3A_134 = arith.mulf %mul3A_133, %get3A_17 : vector<1x8960xf32>
    %div3A_135 = arith.divf %sub3A_131, %mul3A_134 : vector<1x8960xf32>
    %add3A_136 = arith.addf %slice3A_109, %slice3A_111 : vector<1x8960xf32>
    %mul3A_137 = arith.constant 5.000000e-01 : f32
    %mul3A_138 = vector.broadcast %mul3A_137 : f32 to vector<1x8960xf32>
    %mul3A_139 = arith.mulf %add3A_136, %mul3A_138 : vector<1x8960xf32>
    %sub3A_140 = arith.subf %mul3A_139, %get3A_14 : vector<1x8960xf32>
    %mul3A_141 = arith.constant 1.000000e-01 : f32
    %mul3A_142 = vector.broadcast %mul3A_141 : f32 to vector<1x8960xf32>
    %mul3A_143 = arith.mulf %mul3A_142, %get3A_20 : vector<1x8960xf32>
    %div3A_144 = arith.divf %sub3A_140, %mul3A_143 : vector<1x8960xf32>
    %sub3A_145 = arith.subf %slice3A_110, %slice3A_108 : vector<1x8960xf32>
    %div3A_146 = arith.divf %sub3A_145, %get3A_17 : vector<1x8960xf32>
    %log3A = math.log %div3A_146 : vector<1x8960xf32>
    %div3A_147 = arith.constant 2.000000e-01 : f32
    %div3A_148 = vector.broadcast %div3A_147 : f32 to vector<1x8960xf32>
    %div3A_149 = arith.divf %log3A, %div3A_148 : vector<1x8960xf32>
    %sub3A_150 = arith.subf %slice3A_111, %slice3A_109 : vector<1x8960xf32>
    %div3A_151 = arith.divf %sub3A_150, %get3A_20 : vector<1x8960xf32>
    %log3A_152 = math.log %div3A_151 : vector<1x8960xf32>
    %div3A_153 = arith.constant 2.000000e-01 : f32
    %div3A_154 = vector.broadcast %div3A_153 : f32 to vector<1x8960xf32>
    %div3A_155 = arith.divf %log3A_152, %div3A_154 : vector<1x8960xf32>
    %get3A_156 = arith.constant 0 : index
    %get3A_157 = arith.constant 0 : index
    %get3A_158 = arith.constant 0 : index
    %get3A_159 = vector.load %arg2[%get3A_156, %get3A_157, %get3A_158] : memref<1x4x8960xf32, #tpu.memory_space<vmem>>, vector<1x4x8960xf32>
    %get3A_160 = vector.shape_cast %get3A_159 : vector<1x4x8960xf32> to vector<4x8960xf32>
    %slice3A_161 = vector.extract_strided_slice %get3A_160 {offsets = [0, 0], sizes = [1, 8960], strides = [1, 1]} : vector<4x8960xf32> to vector<1x8960xf32>
    %sub3A_162 = arith.subf %slice3A_161, %div3A_135 : vector<1x8960xf32>
    %abs3A = math.absf %sub3A_162 : vector<1x8960xf32>
    %lt3A = arith.constant 1.000000e+00 : f32
    %lt3A_163 = vector.broadcast %lt3A : f32 to vector<1x8960xf32>
    %lt3A_164 = arith.cmpf olt, %abs3A, %lt3A_163 : vector<1x8960xf32>
    %mul3A_165 = arith.constant 5.000000e-01 : f32
    %mul3A_166 = vector.broadcast %mul3A_165 : f32 to vector<1x8960xf32>
    %mul3A_167 = arith.mulf %mul3A_166, %sub3A_162 : vector<1x8960xf32>
    %mul3A_168 = arith.mulf %mul3A_167, %sub3A_162 : vector<1x8960xf32>
    %sub3A_169 = arith.constant 5.000000e-01 : f32
    %sub3A_170 = vector.broadcast %sub3A_169 : f32 to vector<1x8960xf32>
    %sub3A_171 = arith.subf %abs3A, %sub3A_170 : vector<1x8960xf32>
    %select_n3A_172 = arith.select %lt3A_164, %mul3A_168, %sub3A_171 : vector<1x8960xi1>, vector<1x8960xf32>
    %slice3A_173 = vector.extract_strided_slice %get3A_160 {offsets = [1, 0], sizes = [1, 8960], strides = [1, 1]} : vector<4x8960xf32> to vector<1x8960xf32>
    %sub3A_174 = arith.subf %slice3A_173, %div3A_144 : vector<1x8960xf32>
    %abs3A_175 = math.absf %sub3A_174 : vector<1x8960xf32>
    %lt3A_176 = arith.constant 1.000000e+00 : f32
    %lt3A_177 = vector.broadcast %lt3A_176 : f32 to vector<1x8960xf32>
    %lt3A_178 = arith.cmpf olt, %abs3A_175, %lt3A_177 : vector<1x8960xf32>
    %mul3A_179 = arith.constant 5.000000e-01 : f32
    %mul3A_180 = vector.broadcast %mul3A_179 : f32 to vector<1x8960xf32>
    %mul3A_181 = arith.mulf %mul3A_180, %sub3A_174 : vector<1x8960xf32>
    %mul3A_182 = arith.mulf %mul3A_181, %sub3A_174 : vector<1x8960xf32>
    %sub3A_183 = arith.constant 5.000000e-01 : f32
    %sub3A_184 = vector.broadcast %sub3A_183 : f32 to vector<1x8960xf32>
    %sub3A_185 = arith.subf %abs3A_175, %sub3A_184 : vector<1x8960xf32>
    %select_n3A_186 = arith.select %lt3A_178, %mul3A_182, %sub3A_185 : vector<1x8960xi1>, vector<1x8960xf32>
    %add3A_187 = arith.addf %select_n3A_172, %select_n3A_186 : vector<1x8960xf32>
    %slice3A_188 = vector.extract_strided_slice %get3A_160 {offsets = [2, 0], sizes = [1, 8960], strides = [1, 1]} : vector<4x8960xf32> to vector<1x8960xf32>
    %sub3A_189 = arith.subf %slice3A_188, %div3A_149 : vector<1x8960xf32>
    %abs3A_190 = math.absf %sub3A_189 : vector<1x8960xf32>
    %lt3A_191 = arith.constant 1.000000e+00 : f32
    %lt3A_192 = vector.broadcast %lt3A_191 : f32 to vector<1x8960xf32>
    %lt3A_193 = arith.cmpf olt, %abs3A_190, %lt3A_192 : vector<1x8960xf32>
    %mul3A_194 = arith.constant 5.000000e-01 : f32
    %mul3A_195 = vector.broadcast %mul3A_194 : f32 to vector<1x8960xf32>
    %mul3A_196 = arith.mulf %mul3A_195, %sub3A_189 : vector<1x8960xf32>
    %mul3A_197 = arith.mulf %mul3A_196, %sub3A_189 : vector<1x8960xf32>
    %sub3A_198 = arith.constant 5.000000e-01 : f32
    %sub3A_199 = vector.broadcast %sub3A_198 : f32 to vector<1x8960xf32>
    %sub3A_200 = arith.subf %abs3A_190, %sub3A_199 : vector<1x8960xf32>
    %select_n3A_201 = arith.select %lt3A_193, %mul3A_197, %sub3A_200 : vector<1x8960xi1>, vector<1x8960xf32>
    %add3A_202 = arith.addf %add3A_187, %select_n3A_201 : vector<1x8960xf32>
    %slice3A_203 = vector.extract_strided_slice %get3A_160 {offsets = [3, 0], sizes = [1, 8960], strides = [1, 1]} : vector<4x8960xf32> to vector<1x8960xf32>
    %sub3A_204 = arith.subf %slice3A_203, %div3A_155 : vector<1x8960xf32>
    %abs3A_205 = math.absf %sub3A_204 : vector<1x8960xf32>
    %lt3A_206 = arith.constant 1.000000e+00 : f32
    %lt3A_207 = vector.broadcast %lt3A_206 : f32 to vector<1x8960xf32>
    %lt3A_208 = arith.cmpf olt, %abs3A_205, %lt3A_207 : vector<1x8960xf32>
    %mul3A_209 = arith.constant 5.000000e-01 : f32
    %mul3A_210 = vector.broadcast %mul3A_209 : f32 to vector<1x8960xf32>
    %mul3A_211 = arith.mulf %mul3A_210, %sub3A_204 : vector<1x8960xf32>
    %mul3A_212 = arith.mulf %mul3A_211, %sub3A_204 : vector<1x8960xf32>
    %sub3A_213 = arith.constant 5.000000e-01 : f32
    %sub3A_214 = vector.broadcast %sub3A_213 : f32 to vector<1x8960xf32>
    %sub3A_215 = arith.subf %abs3A_205, %sub3A_214 : vector<1x8960xf32>
    %select_n3A_216 = arith.select %lt3A_208, %mul3A_212, %sub3A_215 : vector<1x8960xi1>, vector<1x8960xf32>
    %add3A_217 = arith.addf %add3A_202, %select_n3A_216 : vector<1x8960xf32>
    %mul3A_218 = arith.mulf %add3A_217, %convert_element_type3A_126 : vector<1x8960xf32>
    %reduce_sum3A = vector.shape_cast %mul3A_218 : vector<1x8960xf32> to vector<1x1x8960xf32>
    %reduce_sum3A_219 = arith.constant dense<0.000000e+00> : vector<1xf32>
    %reduce_sum3A_220 = vector.multi_reduction <add>, %reduce_sum3A, %reduce_sum3A_219 [1, 2] : vector<1x1x8960xf32> to vector<1xf32>
    %reduce_sum3A_221 = vector.shape_cast %reduce_sum3A_220 : vector<1xf32> to vector<1x1x1xf32>
    %reduce_sum3A_222 = vector.extract %reduce_sum3A_221[0, 0, 0] : f32 from vector<1x1x1xf32>
    %get3A_223 = arith.constant 0 : index
    %get3A_224 = arith.constant 0 : index
    %get3A_225 = arith.constant 0 : index
    %get3A_226 = vector.load %arg1[%get3A_223, %get3A_224, %get3A_225] : memref<1x21x8960xf32, #tpu.memory_space<vmem>>, vector<1x21x8960xf32>
    %get3A_227 = vector.shape_cast %get3A_226 : vector<1x21x8960xf32> to vector<21x8960xf32>
    %reduce_max3A_228 = arith.constant dense<0xFF800000> : vector<8960xf32>
    %reduce_max3A_229 = vector.multi_reduction <maximumf>, %get3A_227, %reduce_max3A_228 [0] : vector<21x8960xf32> to vector<8960xf32>
    %broadcast_in_dim3A_230 = vector.shape_cast %reduce_max3A_229 : vector<8960xf32> to vector<1x8960xf32>
    %sub3A_231 = vector.broadcast %broadcast_in_dim3A_230 : vector<1x8960xf32> to vector<21x8960xf32>
    %sub3A_232 = arith.subf %get3A_227, %sub3A_231 : vector<21x8960xf32>
    %exp3A = math.exp %sub3A_232 : vector<21x8960xf32>
    %broadcast_in_dim3A_233 = arith.constant 1.000000e+00 : f32
    %broadcast_in_dim3A_234 = vector.broadcast %broadcast_in_dim3A_233 : f32 to vector<1x21xf32>
    %dot_general3A_235 = arith.constant dense<0.000000e+00> : vector<1x8960xf32>
    %dot_general3A_236 = tpu.matmul %broadcast_in_dim3A_234, %exp3A, %dot_general3A_235 {dimension_numbers = #tpu.dot_dimension_numbers<[1], [0], [0], [1], [0, 0, 1, 1], [], []>, transpose_lhs_hint = false} : vector<1x21xf32>, vector<21x8960xf32>, vector<1x8960xf32> -> vector<1x8960xf32>
    %log3A_237 = math.log %dot_general3A_236 : vector<1x8960xf32>
    %add3A_238 = arith.addf %log3A_237, %broadcast_in_dim3A_230 : vector<1x8960xf32>
    %iota3A_239 = tpu.iota {dimensions = array<i32: 0>} : vector<21x8960xi32>
    %convert_element_type3A_240 = arith.fptosi %select_n3A_124 : vector<1x8960xf32> to vector<1x8960xi32>
    %eq3A_241 = vector.broadcast %convert_element_type3A_240 : vector<1x8960xi32> to vector<21x8960xi32>
    %eq3A_242 = arith.cmpi eq, %iota3A_239, %eq3A_241 : vector<21x8960xi32>
    %jit3A_243 = arith.constant 0.000000e+00 : f32
    %broadcast_in_dim3A_244 = vector.broadcast %jit3A_243 : f32 to vector<21x8960xf32>
    %select_n3A_245 = arith.select %eq3A_242, %get3A_227, %broadcast_in_dim3A_244 : vector<21x8960xi1>, vector<21x8960xf32>
    %reduce_sum3A_246 = arith.constant dense<0.000000e+00> : vector<8960xf32>
    %reduce_sum3A_247 = vector.multi_reduction <add>, %select_n3A_245, %reduce_sum3A_246 [0] : vector<21x8960xf32> to vector<8960xf32>
    %broadcast_in_dim3A_248 = vector.shape_cast %reduce_sum3A_247 : vector<8960xf32> to vector<1x8960xf32>
    %sub3A_249 = arith.subf %add3A_238, %broadcast_in_dim3A_248 : vector<1x8960xf32>
    %jit3A_250 = arith.constant 0.000000e+00 : f32
    %broadcast_in_dim3A_251 = vector.broadcast %jit3A_250 : f32 to vector<1x8960xf32>
    %select_n3A_252 = arith.select %ge3A_118, %sub3A_249, %broadcast_in_dim3A_251 : vector<1x8960xi1>, vector<1x8960xf32>
    %reduce_sum3A_253 = vector.shape_cast %select_n3A_252 : vector<1x8960xf32> to vector<1x1x8960xf32>
    %reduce_sum3A_254 = arith.constant dense<0.000000e+00> : vector<1xf32>
    %reduce_sum3A_255 = vector.multi_reduction <add>, %reduce_sum3A_253, %reduce_sum3A_254 [1, 2] : vector<1x1x8960xf32> to vector<1xf32>
    %reduce_sum3A_256 = vector.shape_cast %reduce_sum3A_255 : vector<1xf32> to vector<1x1x1xf32>
    %reduce_sum3A_257 = vector.extract %reduce_sum3A_256[0, 0, 0] : f32 from vector<1x1x1xf32>
    %reduce_sum3A_258 = vector.shape_cast %convert_element_type3A_126 : vector<1x8960xf32> to vector<1x1x8960xf32>
    %reduce_sum3A_259 = arith.constant dense<0.000000e+00> : vector<1xf32>
    %reduce_sum3A_260 = vector.multi_reduction <add>, %reduce_sum3A_258, %reduce_sum3A_259 [1, 2] : vector<1x1x8960xf32> to vector<1xf32>
    %reduce_sum3A_261 = vector.shape_cast %reduce_sum3A_260 : vector<1xf32> to vector<1x1x1xf32>
    %reduce_sum3A_262 = vector.extract %reduce_sum3A_261[0, 0, 0] : f32 from vector<1x1x1xf32>
    %mul3A_263 = arith.constant 3.000000e+00 : f32
    %mul3A_264 = arith.mulf %mul3A_263, %reduce_sum3A_262 : f32
    %min3A_265 = arith.constant 8.731000e+03 : f32
    %min3A_266 = arith.minimumf %mul3A_264, %min3A_265 : f32
    %or3A = arith.ori %ge3A_118, %ge3A_1 : vector<1x8960xi1>
    %jit3A_267 = arith.constant 0.000000e+00 : f32
    %broadcast_in_dim3A_268 = vector.broadcast %jit3A_267 : f32 to vector<1x8960xf32>
    %select_n3A_269 = arith.select %or3A, %broadcast_in_dim3A_268, %sub3A_249 : vector<1x8960xi1>, vector<1x8960xf32>
    %max3A_270 = arith.constant 0.000000e+00 : f32
    %max3A_271 = vector.broadcast %max3A_270 : f32 to vector<1x8960xf32>
    %max3A_272 = arith.maximumf %select_n3A_269, %max3A_271 : vector<1x8960xf32>
    %swap3A = arith.constant 0 : index
    %swap3A_273 = arith.constant 0 : index
    %swap3A_274 = arith.constant 0 : index
    %swap3A_275 = vector.load %arg6[%swap3A, %swap3A_273, %swap3A_274] : memref<1x1x8960xf32, #tpu.memory_space<vmem>>, vector<1x1x8960xf32>
    %swap3A_276 = vector.shape_cast %swap3A_275 : vector<1x1x8960xf32> to vector<1x8960xf32>
    %swap3A_277 = vector.shape_cast %max3A_272 : vector<1x8960xf32> to vector<1x1x8960xf32>
    tpu.vector_store %arg6[%swap3A, %swap3A_273, %swap3A_274], %swap3A_277 {strides = array<i32>} : memref<1x1x8960xf32, #tpu.memory_space<vmem>>, vector<1x1x8960xf32>,
    %broadcast_in_dim3A_278 = vector.broadcast %min3A_266 : f32 to vector<1x128xf32>
    %swap3A_279 = arith.constant 0 : index
    %swap3A_280 = arith.constant 0 : index
    %swap3A_281 = arith.constant 0 : index
    %swap3A_282 = vector.load %arg7[%swap3A_279, %swap3A_280, %swap3A_281] : memref<1x1x128xf32, #tpu.memory_space<vmem>>, vector<1x1x128xf32>
    %swap3A_283 = vector.shape_cast %swap3A_282 : vector<1x1x128xf32> to vector<1x128xf32>
    %swap3A_284 = vector.shape_cast %broadcast_in_dim3A_278 : vector<1x128xf32> to vector<1x1x128xf32>
    tpu.vector_store %arg7[%swap3A_279, %swap3A_280, %swap3A_281], %swap3A_284 {strides = array<i32>} : memref<1x1x128xf32, #tpu.memory_space<vmem>>, vector<1x1x128xf32>,
    %iota3A_285 = tpu.iota {dimensions = array<i32: 1>} : vector<8x128xi32>
    %eq3A_286 = arith.constant 0 : i32
    %eq3A_287 = vector.broadcast %eq3A_286 : i32 to vector<8x128xi32>
    %eq3A_288 = arith.cmpi eq, %iota3A_285, %eq3A_287 : vector<8x128xi32>
    %eq3A_289 = arith.constant 1 : i32
    %eq3A_290 = vector.broadcast %eq3A_289 : i32 to vector<8x128xi32>
    %eq3A_291 = arith.cmpi eq, %iota3A_285, %eq3A_290 : vector<8x128xi32>
    %eq3A_292 = arith.constant 2 : i32
    %eq3A_293 = vector.broadcast %eq3A_292 : i32 to vector<8x128xi32>
    %eq3A_294 = arith.cmpi eq, %iota3A_285, %eq3A_293 : vector<8x128xi32>
    %jit3A_295 = arith.constant 0.000000e+00 : f32
    %broadcast_in_dim3A_296 = vector.broadcast %reduce_sum3A_262 : f32 to vector<8x128xf32>
    %broadcast_in_dim3A_297 = vector.broadcast %jit3A_295 : f32 to vector<8x128xf32>
    %select_n3A_298 = arith.select %eq3A_294, %broadcast_in_dim3A_296, %broadcast_in_dim3A_297 : vector<8x128xi1>, vector<8x128xf32>
    %broadcast_in_dim3A_299 = vector.broadcast %reduce_sum3A_257 : f32 to vector<8x128xf32>
    %select_n3A_300 = arith.select %eq3A_291, %broadcast_in_dim3A_299, %select_n3A_298 : vector<8x128xi1>, vector<8x128xf32>
    %broadcast_in_dim3A_301 = vector.broadcast %reduce_sum3A_222 : f32 to vector<8x128xf32>
    %select_n3A_302 = arith.select %eq3A_288, %broadcast_in_dim3A_301, %select_n3A_300 : vector<8x128xi1>, vector<8x128xf32>
    %eq3A_303 = arith.constant 0 : i32
    %eq3A_304 = arith.cmpi eq, %arg0, %eq3A_303 : i32
    %convert_element_type3A_305 = arith.extui %eq3A_304 : i1 to i32
    %cond3A = arith.constant 0 : i32
    %cond3A_306 = arith.cmpi ne, %convert_element_type3A_305, %cond3A : i32
    scf.if %cond3A_306 {
      %swap3A_311 = arith.constant 0 : index
      %swap3A_312 = arith.constant 0 : index
      %swap3A_313 = vector.load %arg5[%swap3A_311, %swap3A_312] : memref<8x128xf32, #tpu.memory_space<vmem>>, vector<8x128xf32>
      tpu.vector_store %arg5[%swap3A_311, %swap3A_312], %select_n3A_302 {strides = array<i32>} : memref<8x128xf32, #tpu.memory_space<vmem>>, vector<8x128xf32>,
    } else {
    }
    %gt3A = arith.constant 0 : i32
    %gt3A_307 = arith.cmpi sgt, %arg0, %gt3A : i32
    %convert_element_type3A_308 = arith.extui %gt3A_307 : i1 to i32
    %cond3A_309 = arith.constant 0 : i32
    %cond3A_310 = arith.cmpi ne, %convert_element_type3A_308, %cond3A_309 : i32
    scf.if %cond3A_310 {
      %get3A_311 = arith.constant 0 : index
      %get3A_312 = arith.constant 0 : index
      %get3A_313 = vector.load %arg5[%get3A_311, %get3A_312] : memref<8x128xf32, #tpu.memory_space<vmem>>, vector<8x128xf32>
      %add3A_314 = arith.addf %get3A_313, %select_n3A_302 : vector<8x128xf32>
      %swap3A_315 = arith.constant 0 : index
      %swap3A_316 = arith.constant 0 : index
      %swap3A_317 = vector.load %arg5[%swap3A_315, %swap3A_316] : memref<8x128xf32, #tpu.memory_space<vmem>>, vector<8x128xf32>
      tpu.vector_store %arg5[%swap3A_315, %swap3A_316], %add3A_314 {strides = array<i32>} : memref<8x128xf32, #tpu.memory_space<vmem>>, vector<8x128xf32>,
    } else {
    }
    return
  }
  func.func @transform_0(%arg0: i32) -> (i32, i32, i32) {
    %c0_i32 = arith.constant 0 : i32
    %c0_i32_0 = arith.constant 0 : i32
    %c0_i32_1 = arith.constant 0 : i32
    return %arg0, %c0_i32, %c0_i32_0 : i32, i32, i32
  }
  func.func @transform_1(%arg0: i32) -> (i32, i32, i32) {
    %c0_i32 = arith.constant 0 : i32
    %c0_i32_0 = arith.constant 0 : i32
    %c0_i32_1 = arith.constant 0 : i32
    return %arg0, %c0_i32, %c0_i32_0 : i32, i32, i32
  }
  func.func @transform_2(%arg0: i32) -> (i32, i32) {
    %c0_i32 = arith.constant 0 : i32
    %c0_i32_0 = arith.constant 0 : i32
    %c0_i32_1 = arith.constant 0 : i32
    return %c0_i32, %c0_i32_0 : i32, i32
  }
  func.func @transform_3(%arg0: i32) -> (i32, i32, i32) {
    %c0_i32 = arith.constant 0 : i32
    %c0_i32_0 = arith.constant 0 : i32
    %c0_i32_1 = arith.constant 0 : i32
    return %arg0, %c0_i32, %c0_i32_0 : i32, i32, i32
  }
  func.func @transform_4(%arg0: i32) -> (i32, i32) {
    %c0_i32 = arith.constant 0 : i32
    %c0_i32_0 = arith.constant 0 : i32
    %c0_i32_1 = arith.constant 0 : i32
    return %c0_i32, %c0_i32_0 : i32, i32
  }
  func.func @transform_5(%arg0: i32) -> (i32, i32, i32) {
    %c0_i32 = arith.constant 0 : i32
    %c0_i32_0 = arith.constant 0 : i32
    %c0_i32_1 = arith.constant 0 : i32
    return %arg0, %c0_i32, %c0_i32_0 : i32, i32, i32
  }
  func.func @transform_6(%arg0: i32) -> (i32, i32, i32) {
    %c0_i32 = arith.constant 0 : i32
    %c0_i32_0 = arith.constant 0 : i32
    %c0_i32_1 = arith.constant 0 : i32
    return %arg0, %c0_i32, %c0_i32_0 : i32, i32, i32
  }
}

</mosaic_0001>

<sc_bundles>
// kernel: kernel.4.cloned.1.call-start
scs
__scs_entry_jumppad:
0x0: {  	(pc) =	sbr.rel $0x88, $3  }
0x1: {  	(tag) =	ssettag $0x0;
	lr =	simm.s32 $0x1  }
0x2: {  	[smem:$0x3F9D] =	sst lr;
	_ =	strace $0xD0000000  }
0x3: {  	_ = 	snop  }
0x4: {  	_ = 	snop  }
0x5: {  	_ = 	snop  }
0x6: {  	_ = 	snop  }
0x7: {  	_ = 	snop  }
__scs_overlays_trampoline_lowered:
0x8: {  	[smem:$0x3FAC] =	sst s0  }
0x9: {  	[smem:$0x3FAD] =	sst s1  }
0xa: {  	[smem:$0x3FAE] =	sst s2  }
0xb: {  	[smem:$0x3FAF] =	sst s3  }
0xc: {  	[smem:$0x3FB0] =	sst s4  }
0xd: {  	[smem:$0x3FB1] =	sst s5  }
0xe: {  	[smem:$0x3FB2] =	sst s6  }
0xf: {  	[smem:$0x3FB3] =	sst s7  }
0x10: {  	[smem:$0x3FB4] =	sst s8  }
0x11: {  	[smem:$0x3FB5] =	sst s9;
	s0 =	simm.s32 @!p0 $0x0  }
0x12: {  	s1 =	sld [smem:$0x3F9B];
	s0 =	simm.s32 @p0 $0x1  }
0x13: {  	[smem:$0x3FB6] =	sst s0;
	s0 =	simm.s32 @!p1 $0x0  }
0x14: {  	s2 =	sld [smem:$0x3F9A];
	s0 =	simm.s32 @p1 $0x1  }
0x15: {  	[smem:$0x3FB7] =	sst s0;
	s0 =	simm.s32 @!p2 $0x0  }
0x16: {  	s3 =	sld [smem:$0x3FDB];
	s0 =	simm.s32 @p2 $0x1  }
0x17: {  	s4 =	simm.s32 $0x1BF5;
	[smem:$0x3FB9] =	sst s0  }
0x18: {  	s0 =	sld [smem:$0x3F9C];
	_ =	swait.ge [sflag:s4], $0x0  }
0x19: {  	s7 =	sld [smem:$0x3F9D]  }
0x1a: {  	s8 =	sadd.s32 $0xFFFFE003, lr  }
0x1b: {  	s9 =	sadd.s32 $0xFFFFFEF7, lr;
	s5 =	simm.s32 $0xFFFFFFFF;
	p2 =	slt.u32 s8, $0xFFFFF086  }
0x1c: {  	p1 =	slt.u32 s9, $0xF7A;
	s5 =	simm.s32 @!p2 $0x0  }
0x1d: {  	s5 =	simm.s32 @p1 $0x1;
	p0 =	seq.s32 s7, s2  }
0x1e: {  	s7 =	smul.u32 @!p0 $0xF7A, s2;
	p2 =	seq.s32 @!p0 s5, $0x0  }
0x1f: {  	s9 =	smul.u32 $0xF7A, s1;
	s8 =	simm.s32 @!p0 $0x1BF5;
	p2 =	por !p2, p0  }
0x20: {  	[sflag:s8] =	ssyncset.s32 @!p0 $0xFFFFF086;
	s6 =	sadd.s32 @!p0 s3, s7;
	s7 =	simm.s32 @!p0 $0x108  }
0x21: {  	s3 =	sadd.s32 s3, s9;
	s6 =	sadd.s32 @!p0 $0x88, s6;
	s7 =	simm.s32 @p2 $0x1082  }
0x22: {  	[simem:s7], [sflag:s8] =	dma.local @!p0 [hbm:s6], $0xF7A  }
0x23: {  	s9 =	sor.u32 $0xD0000000, s2;
	s6 =	simm.s32 $0x108;
	_ =	swait.ge @!p0 [sflag:s8], $0x0  }
0x24: {  	s3 =	sadd.s32 $0x88, s3;
	s6 =	simm.s32 @!p1 $0x1082;
	[sflag:s4] =	ssyncset.s32 $0xFFFFF086  }
0x25: {  	[simem:s6], [sflag:s4] =	dma.local [hbm:s3], $0xF7A  }
0x26: {  	[smem:$0x3F9D] =	sst s1;
	(tag) =	ssettag s2;
	_ =	strace s9  }
0x27: {  	s1 =	sld [smem:$0x3FAD]  }
0x28: {  	s2 =	sld [smem:$0x3FAE]  }
0x29: {  	s4 =	sld [smem:$0x3FB0]  }
0x2a: {  	p0 =	seq.s32 s5, $0x0;
	s5 =	sld [smem:$0x3FB1]  }
0x2b: {  	s6 =	sld [smem:$0x3FB2]  }
0x2c: {  	s7 =	sld [smem:$0x3FB3]  }
0x2d: {  	s3 =	simm.s32 $0x108;
	s8 =	sld [smem:$0x3FB4]  }
0x2e: {  	s3 =	simm.s32 @!p0 $0x1082;
	s9 =	sld [smem:$0x3FB5]  }
0x2f: {  	lr =	sadd.s32 s0, s3;
	s0 =	sld [smem:$0x3FAC]  }
0x30: {  	s3 =	sld [smem:$0x3FAF]  }
0x31: {  	[smem:$0x3FB8] =	sst s10  }
0x32: {  	s10 =	sld [smem:$0x3FB6];
	_ =	sdelay $0x3  }
0x33: {  	p0 =	seq.s32 s10, $0x1;
	s10 =	sld [smem:$0x3FB8];
	_ =	sdelay $0x3  }
0x34: {  	[smem:$0x3FB8] =	sst s10  }
0x35: {  	s10 =	sld [smem:$0x3FB7];
	_ =	sdelay $0x3  }
0x36: {  	p1 =	seq.s32 s10, $0x1;
	s10 =	sld [smem:$0x3FB8];
	_ =	sdelay $0x3  }
0x37: {  	[smem:$0x3FB8] =	sst s10  }
0x38: {  	s10 =	sld [smem:$0x3FB9]  }
0x39: {  	_ = 	snop;
	(pc) =	sbr.ind lr, $3  }
0x3a: {  	_ = 	snop  }
0x3b: {  	_ = 	snop  }
0x3c: {  	p2 =	seq.s32 s10, $0x1;
	s10 =	sld [smem:$0x3FB8]  }
0x3d: {  	_ =	shalt  }
0x3e: {  	_ =	shalt  }
0x3f: {  	_ =	shalt  }
0x40: {  	_ =	shalt  }
0x41: {  	_ =	shalt  }
0x42: {  	_ =	shalt  }
0x43: {  	_ =	shalt  }
0x44: {  	_ =	shalt  }
0x45: {  	_ =	shalt  }
0x46: {  	_ =	shalt  }
0x47: {  	_ =	shalt  }
0x48: {  	_ =	shalt  }
0x49: {  	_ =	shalt  }
0x4a: {  	_ =	shalt  }
0x4b: {  	_ =	shalt  }
0x4c: {  	_ =	shalt  }
0x4d: {  	_ =	shalt  }
0x4e: {  	_ =	shalt  }
0x4f: {  	_ =	shalt  }
0x50: {  	_ =	shalt  }
0x51: {  	_ =	shalt  }
0x52: {  	_ =	shalt  }
0x53: {  	_ =	shalt  }
0x54: {  	_ =	shalt  }
0x55: {  	_ =	shalt  }
0x56: {  	_ =	shalt  }
0x57: {  	_ =	shalt  }
0x58: {  	_ =	shalt  }
0x59: {  	_ =	shalt  }
0x5a: {  	_ =	shalt  }
0x5b: {  	_ =	shalt  }
0x5c: {  	_ =	shalt  }
0x5d: {  	_ =	shalt  }
0x5e: {  	_ =	shalt  }
0x5f: {  	_ =	shalt  }
0x60: {  	_ =	shalt  }
0x61: {  	_ =	shalt  }
0x62: {  	_ =	shalt  }
0x63: {  	_ =	shalt  }
0x64: {  	_ =	shalt  }
0x65: {  	_ =	shalt  }
0x66: {  	_ =	shalt  }
0x67: {  	_ =	shalt  }
0x68: {  	_ =	shalt  }
0x69: {  	_ =	shalt  }
0x6a: {  	_ =	shalt  }
0x6b: {  	_ =	shalt  }
0x6c: {  	_ =	shalt  }
0x6d: {  	_ =	shalt  }
0x6e: {  	_ =	shalt  }
0x6f: {  	_ =	shalt  }
0x70: {  	_ =	shalt  }
0x71: {  	_ =	shalt  }
0x72: {  	_ =	shalt  }
0x73: {  	_ =	shalt  }
0x74: {  	_ =	shalt  }
0x75: {  	_ =	shalt  }
0x76: {  	_ =	shalt  }
0x77: {  	_ =	shalt  }
0x78: {  	_ =	shalt  }
0x79: {  	_ =	shalt  }
0x7a: {  	_ =	shalt  }
0x7b: {  	_ =	shalt  }
0x7c: {  	_ =	shalt  }
0x7d: {  	_ =	shalt  }
0x7e: {  	_ =	shalt  }
0x7f: {  	_ =	shalt  }
0x80: {  	_ =	shalt  }
0x81: {  	_ =	shalt  }
0x82: {  	_ =	shalt  }
0x83: {  	_ =	shalt  }
0x84: {  	_ =	shalt  }
0x85: {  	_ =	shalt  }
0x86: {  	_ =	shalt  }
0x87: {  	_ =	shalt  }
.Lfunc_end0:
.L_simem_size_0:
called_computation_lowered:
.L_overlay_start_0:
0x88: {  	s2 =	sld [smem:$0x3FD9]  }
0x89: {  	s3 =	sld [smem:$0x3FFE];
	_ =	sdelay $0x1  }
0x8a: {  	s1 =	srdreg.scid  }
0x8b: {  	s0 =	sand.u32 $0x1, s1  }
0x8c: {  	s16 =	sshll.u32 s0, $0xA;
	s2 =	sadd.s32 s3, s2  }
0x8d: {  	s2 =	sadd.s32 s2, s16  }
0x8e: {  	[smem:$0x3FC4] =	sst s2  }
0x8f: {  	_ = 	snop  }
0x90: {  	(tm) =	ssettm $0x1  }
0x91: {  	s17 =	sld [smem:$0x3FFB];
	_ =	sdelay $0x3  }
0x92: {  	_ =	strace s17  }
0x93: {  	s2 =	sld [smem:$0x3FFC];
	_ =	sdelay $0x3  }
0x94: {  	_ =	strace s2  }
0x95: {  	s2 =	sld [smem:$0x3FFD];
	_ =	sdelay $0x3  }
0x96: {  	_ =	strace s2  }
0x97: {  	_ =	strace $0x8FFFFFFF  }
0x98: {  	s18 =	sld [smem:$0x3FDB];
	_ =	sdelay $0x1  }
0x99: {  	s19 =	simm.s32 $_scs_section_size  }
0x9a: {  	s4 =	simm.s32 $_size__tile_overlayer_lowered;
	s5 =	simm.s32 $_tile_overlayer_lowered  }
0x9b: {  	s22 =	simm.s32 $0x1BFF;
	s21 =	sshll.u32 s5, $0x1;
	s2 =	sadd.s32 s19, s18  }
0x9c: {  	s6 =	simm.s32 $0x0;
	s20 =	sshll.u32 s4, $0x1;
	s4 =	sadd.s32 s21, s2  }
0x9d: {  	[timem:s6], [sflag:s22] =	dma.local [hbm:s4], s20  }
0x9e: {  	_ =	swait.ge [sflag:s22], s20  }
0x9f: {  	s3 =	ssub.s32 $0x0, s20;
	[sflag:s22] =	ssyncset.done $0x0  }
0xa0: {  	[sflag:s22] =	ssyncadd.s32 s3;
	_ =	sdelay $0x1  }
0xa1: {  	s23 =	simm.s32 $0x1B8B  }
0xa2: {  	_ =	swait.ge [sflag:s23], $0x1  }
0xa3: {  	[sflag:s23] =	ssyncset.done $0x0  }
0xa4: {  	s25 =	simm.s32 $0x1B8E;
	s24 =	sld [smem:$0x3FFE];
	[sflag:s23] =	ssyncadd.s32 $0xFFFFFFFF  }
0xa5: {  	s26 =	simm.s32 $execute0_lowered;
	[smem:$0x3FD2] =	sst s25  }
0xa6: {  	s4 =	sshll.u32 s26, $0x1;
	_ =	strace $0x80000046;
	[dreg:$0x1] =	wrdreg $0xFFFFFFFF  }
0xa7: {  	s28 =	simm.s32 $_size_execute0_lowered;
	s2 =	sadd.s32 s2, s4;
	[dreg:$0x0] =	wrdreg $0x0  }
0xa8: {  	s4 =	sshll.u32 s28, $0x1;
	[dreg:$0x2] =	wrdreg s2  }
0xa9: {  	[dreg:$0x3] =	wrdreg s4  }
0xaa: {  	[dreg:$0x4] =	wrdreg $0xC0  }
0xab: {  	_ =	task [dreg:s6], $0x5FFFF  }
0xac: {  	[dreg:$0x1] =	wrdreg $0xFFFFFFFF  }
0xad: {  	[dreg:$0x0] =	wrdreg $0x60  }
0xae: {  	[dreg:$0x2] =	wrdreg s24  }
0xaf: {  	[dreg:$0x3] =	wrdreg $0x9  }
0xb0: {  	_ =	task.clear_ibuf [dreg:s6], $0x4FFFF;
	_ =	strace $0x90000046  }
0xb1: {  	s29 =	simm.s32 $0x9;
	_ =	strace $0x80000048  }
0xb2: {  	_ =	swait.ge [sflag:s29], $0x1  }
0xb3: {  	[sflag:s29] =	ssyncadd.s32 $0xFFFFFFFF  }
0xb4: {  	_ =	strace $0x90000048  }
0xb5: {  	_ =	sfence  }
0xb6: {  	s30 =	sld [smem:$0x0];
	_ =	sdelay $0x2  }
0xb7: {  	s31 =	sshll.u32 s1, $0xD;
	s1 =	sshrl.u32 s1, $0x2  }
0xb8: {  	s3 =	sand.u32 $0x4000, s31;
	s1 =	sadd.s32 s1, s30  }
0xb9: {  	s0 =	sor.u32 s3, s0;
	s1 =	sshll.u32 s1, $0x11  }
0xba: {  	s0 =	sor.u32 s1, s0  }
0xbb: {  	s0 =	sadd.s32 $0x8F2B, s0  }
0xbc: {  	[sflag:s0] =	ssyncadd.remote.s32 $0x1  }
0xbd: {  	_ =	sfence.sel $0xFFFF  }
0xbe: {  	[dreg:$0x0] =	wrdreg $0xFFFFFFFF;
	(pc) =	sbr.abs _section_cstart, $3  }
0xbf: {  	[dreg:$0x1] =	wrdreg $0xFFFFFFFF  }
0xc0: {  	_ =	task.clear_ibuf [dreg:s6], $0x2FFFF;
	_ =	strace $0x9FFFFFFF  }
0xc1: {  	(tm) =	ssettm $0x7FFFFFFF  }
tec
execute0_lowered:
.L_overlay_start_1:
0x0: {  	(tag) =	ssettag $0x1  }
0x1: {  	s3 =	rddreg [dreg:$0x0]  }
0x2: {  	s0 =	rddreg [dreg:$0x1];
	s2 =	simm.s32 $0x0;
	s4 =	srdreg.scid  }
0x3: {  	s1 =	stileid.u32;
	s9 =	simm.s32 $0x1;
	s10 =	simm.s32 $0x2300  }
0x4: {  	s11 =	simm.s32 $0x2380;
	s12 =	simm.s32 $0x0;
	s4 =	sand.u32 $0x1, s4  }
0x5: {  	s5 =	sshrl.u32 s1, $0x2;
	s6 =	sshll.u32 s1, $0x8;
	[smem:$0x7FF] =	sst s2  }
0x6: {  	s7 =	smul.u32 $0x11800, s5;
	s8 =	sshll.u32 s4, $0x7;
	s6 =	sand.u32 $0x300, s6  }
0x7: {  	_ =	strace $0x80000047;
	s5 =	sshll.u32 s5, $0xA;
	s6 =	sor.u32 s8, s6  }
0x8: {  	s4 =	ssub.s32 $0x2, s4;
	s7 =	sor.u32 s7, s6;
	s5 =	sor.u32 s5, s6  }
0x9: {  	s31 =	sshrl.u32 s4, $0x1;
	s7 =	sshrl.u32 s7, $0x3;
	s5 =	sshrl.u32 s5, $0x3  }
0xa: {  	s8 =	simm.s32 $0x400;
	s30 =	sadd.s32 s7, s3;
	s5 =	sadd.s32 s5, s3  }
0xb: {  	s7 =	ssub.s32 s4, s31;
	s3 =	sadd.s32 $0x1600, s30;
	s4 =	sadd.s32 $0x1400, s5  }
0xc: {  	v0 =	vimm.f32 $0.0e+00;
	s5 =	sadd.s32 $0xA200, s5;
	s6 =	smax.u32 s7, $0x1;
	s7 =	simm.s32 $0x80  }
.LBB2_1:
0xd: {  	[tilespmem:s2], [sflag:$0x1] =	stream.strided.gather [hbm4b:s3+s7], $0x2300, s8, s7, $0x38;
	[tilespmem:$0x2400] =	vst v63  }
0xe: {  	_ =	swait.ge [sflag:s9], $0x2300  }
0xf: {  	[sflag:s9] =	ssyncset.done $0x0  }
0x10: {  	[sflag:s9] =	ssyncadd.s32 $0xFFFFDD00  }
0x11: {  	[tilespmem:s10], [sflag:$0x1] =	stream.linear.gather [hbm4b:s4+s2], $0x80, $0x38;
	[tilespmem:$0x2400] =	vst v63  }
0x12: {  	_ =	swait.ge [sflag:s9], $0x80  }
0x13: {  	[sflag:s9] =	ssyncset.done $0x0  }
0x14: {  	[sflag:s9] =	ssyncadd.s32 $0xFFFFFF80  }
0x15: {  	s15 =	simm.s32 $0x0;
	v1 =	vld [tilespmem:$0x2300]  }
0x16: {  	v2 =	vld [tilespmem:s15+$0x0]  }
0x17: {  	v3 =	vld [tilespmem:s15+$0x10]  }
0x18: {  	v4 =	vld [tilespmem:s15+$0x20]  }
0x19: {  	v5 =	vld [tilespmem:s15+$0x30]  }
0x1a: {  	v6 =	vld [tilespmem:s15+$0x40]  }
0x1b: {  	v7 =	vld [tilespmem:s15+$0x50];
	v2 =	vmax.f32 v0, v2  }
0x1c: {  	v2 =	vmax.f32 v2, v3;
	v3 =	vld [tilespmem:s15+$0x60]  }
0x1d: {  	v2 =	vmax.f32 v2, v4;
	v4 =	vld [tilespmem:s15+$0x70]  }
0x1e: {  	v2 =	vmax.f32 v2, v5;
	v5 =	vld [tilespmem:s15+$0x80]  }
0x1f: {  	v2 =	vmax.f32 v2, v6;
	v6 =	vld [tilespmem:s15+$0x90]  }
0x20: {  	v2 =	vmax.f32 v2, v7;
	v7 =	vld [tilespmem:s15+$0xA0]  }
0x21: {  	v3 =	vmax.f32 v2, v3;
	v2 =	vld [tilespmem:s15+$0xB0]  }
0x22: {  	v4 =	vmax.f32 v3, v4;
	v3 =	vld [tilespmem:s15+$0xC0]  }
0x23: {  	v5 =	vmax.f32 v4, v5;
	v4 =	vld [tilespmem:s15+$0xD0]  }
0x24: {  	v6 =	vmax.f32 v5, v6;
	v5 =	vld [tilespmem:s15+$0xE0]  }
0x25: {  	s13 =	simm.s32 $0x100;
	s14 =	simm.s32 $0x800;
	v7 =	vmax.f32 v6, v7;
	v6 =	vld [tilespmem:s15+$0xF0]  }
.LBB2_2:
0x26: {  	p0 =	sne.s32 s14, $0x8800;
	v8 =	vld [tilespmem:s13+$0x0];
	v2 =	vmax.f32 v7, v2  }
0x27: {  	v7 =	vld [tilespmem:s13+$0x10];
	v2 =	vmax.f32 v2, v3  }
0x28: {  	v3 =	vld [tilespmem:s13+$0x20];
	v2 =	vmax.f32 v2, v4  }
0x29: {  	v4 =	vld [tilespmem:s13+$0x30];
	v2 =	vmax.f32 v2, v5  }
0x2a: {  	v5 =	vld [tilespmem:s13+$0x40];
	v2 =	vmax.f32 v2, v6  }
0x2b: {  	v2 =	vmax.f32 v2, v8;
	v6 =	vld [tilespmem:s13+$0x50]  }
0x2c: {  	v2 =	vmax.f32 v2, v7;
	v7 =	vld [tilespmem:s13+$0x60]  }
0x2d: {  	v2 =	vmax.f32 v2, v3;
	v3 =	vld [tilespmem:s13+$0x70]  }
0x2e: {  	v2 =	vmax.f32 v2, v4;
	v4 =	vld [tilespmem:s13+$0x80]  }
0x2f: {  	v2 =	vmax.f32 v2, v5;
	v5 =	vld [tilespmem:s13+$0x90]  }
0x30: {  	v2 =	vmax.f32 v2, v6;
	v6 =	vld [tilespmem:s13+$0xA0]  }
.Ltmp0:
0x31: {  	v7 =	vmax.f32 v2, v7;
	v2 =	vld [tilespmem:s13+$0xB0];
	(pc) =	sbr.rel @p0 .LBB2_2-.Ltmp0, $4  }
0x32: {  	v7 =	vmax.f32 v7, v3;
	v3 =	vld [tilespmem:s13+$0xC0]  }
0x33: {  	v7 =	vmax.f32 v7, v4;
	v4 =	vld [tilespmem:s13+$0xD0]  }
0x34: {  	v7 =	vmax.f32 v7, v5;
	v5 =	vld [tilespmem:s13+$0xE0]  }
0x35: {  	v7 =	vmax.f32 v7, v6;
	v6 =	vld [tilespmem:s13+$0xF0];
	s13 =	sshra.s32 s14, $0x2;
	s14 =	sadd.s32 $0x400, s14  }
0x36: {  	v8 =	vld [tilespmem:s13+$0x0];
	v2 =	vmax.f32 v7, v2  }
0x37: {  	v52 =	vld [tilespmem:s13+$0x10];
	v2 =	vmax.f32 v2, v3  }
0x38: {  	v3 =	vld [tilespmem:s13+$0x20];
	v2 =	vmax.f32 v2, v4  }
0x39: {  	v53 =	vld [tilespmem:s13+$0x30];
	v2 =	vmax.f32 v2, v5  }
0x3a: {  	v54 =	vld [tilespmem:s13+$0x40];
	v2 =	vmax.f32 v2, v6  }
0x3b: {  	v55 =	vld [tilespmem:s13+$0x50];
	v2 =	vmax.f32 v2, v8  }
0x3c: {  	v56 =	vld [tilespmem:s13+$0x60];
	v2 =	vmax.f32 v2, v52  }
0x3d: {  	v2 =	vmax.f32 v2, v3;
	v3 =	vld [tilespmem:s13+$0x70]  }
0x3e: {  	v57 =	vld [tilespmem:s13+$0x80];
	v2 =	vmax.f32 v2, v53  }
0x3f: {  	v58 =	vld [tilespmem:s13+$0x90];
	v2 =	vmax.f32 v2, v54  }
0x40: {  	v59 =	vld [tilespmem:s13+$0xA0];
	v2 =	vmax.f32 v2, v55  }
0x41: {  	v60 =	vld [tilespmem:s13+$0xB0];
	v2 =	vmax.f32 v2, v56  }
0x42: {  	v2 =	vmax.f32 v2, v3;
	v3 =	vld [tilespmem:s13+$0xC0]  }
0x43: {  	v61 =	vld [tilespmem:s13+$0xD0];
	v2 =	vmax.f32 v2, v57  }
0x44: {  	v62 =	vld [tilespmem:s13+$0xE0];
	v2 =	vmax.f32 v2, v58  }
0x45: {  	v63 =	vld [tilespmem:s13+$0xF0];
	v2 =	vmax.f32 v2, v59  }
0x46: {  	v2 =	vmax.f32 v2, v60  }
0x47: {  	v2 =	vmax.f32 v2, v3  }
0x48: {  	v2 =	vmax.f32 v2, v61  }
0x49: {  	v2 =	vmax.f32 v2, v62  }
0x4a: {  	v2 =	vmax.f32 v2, v63  }
0x4b: {  	(xrf0) =	vmax.scan.msk.f32 $0xffff, v1;
	v1 =	vxor.u32 $0x80000000, v2  }
0x4c: {  	(xrf0) =	vmax.scan.msk.u32 $0xffff, v1;
	_ =	sdelay $0x4  }
0x4d: {  	v1, _, _ =	vpop (xrf0)  }
0x4e: {  	(v2sf) =	vpush v1, $0xF;
	v1, _, _ =	vpop (xrf0)  }
0x4f: {  	(v2sf) =	vpush v1, $0xF;
	_ =	sdelay $0xd  }
0x50: {  	s13 =	spop (v2sf)  }
0x51: {  	s14 =	spop (v2sf)  }
0x52: {  	s15 =	simm.s32 $0x0;
	s16 =	sxor.u32 $0x80000000, s14;
	s14 =	simm.s32 $0x0  }
.LBB2_4:
0x53: {  	s17 =	ssub.s32 s16, s14  }
0x54: {  	s18 =	simm.s32 $0x0;
	s17 =	sadd.s32 $0x1, s17  }
0x55: {  	v2 =	vld [tilespmem:s18+$0x0];
	s17 =	sshrl.u32 s17, $0x1  }
0x56: {  	s17 =	sadd.s32 s14, s17  }
0x57: {  	v3 =	vld [tilespmem:s18+$0x10];
	v1 =	vmov s17  }
0x58: {  	v1 =	vbroadcast v1, $0x0  }
0x59: {  	v4 =	vld [tilespmem:s18+$0x20]  }
0x5a: {  	vm0 =	vge.f32 v2, v1  }
0x5b: {  	v6 =	vld [tilespmem:s18+$0x30];
	v2 =	vimm.f32 $0.0e+00;
	v5 =	vsel vm0, $0x3F800000, v0  }
0x5c: {  	vm0 =	vge.f32 v3, v1;
	v2 =	vadd.f32 v5, v2  }
0x5d: {  	v3 =	vsel vm0, $0x3F800000, v0;
	v5 =	vld [tilespmem:s18+$0x40]  }
0x5e: {  	vm0 =	vge.f32 v4, v1;
	v2 =	vadd.f32 v3, v2  }
0x5f: {  	v4 =	vld [tilespmem:s18+$0x50];
	v3 =	vsel vm0, $0x3F800000, v0  }
0x60: {  	vm0 =	vge.f32 v6, v1;
	v2 =	vadd.f32 v3, v2  }
0x61: {  	v6 =	vld [tilespmem:s18+$0x60];
	v3 =	vsel vm0, $0x3F800000, v0  }
0x62: {  	vm0 =	vge.f32 v5, v1;
	v2 =	vadd.f32 v3, v2  }
0x63: {  	v5 =	vld [tilespmem:s18+$0x70];
	v3 =	vsel vm0, $0x3F800000, v0  }
0x64: {  	vm0 =	vge.f32 v4, v1;
	v2 =	vadd.f32 v3, v2  }
0x65: {  	v4 =	vld [tilespmem:s18+$0x80];
	v3 =	vsel vm0, $0x3F800000, v0  }
0x66: {  	vm0 =	vge.f32 v6, v1;
	v2 =	vadd.f32 v3, v2  }
0x67: {  	v6 =	vld [tilespmem:s18+$0x90];
	v3 =	vsel vm0, $0x3F800000, v0  }
0x68: {  	vm0 =	vge.f32 v5, v1;
	v2 =	vadd.f32 v3, v2  }
0x69: {  	v5 =	vld [tilespmem:s18+$0xA0];
	v3 =	vsel vm0, $0x3F800000, v0  }
0x6a: {  	vm0 =	vge.f32 v4, v1;
	v2 =	vadd.f32 v3, v2  }
0x6b: {  	v4 =	vld [tilespmem:s18+$0xB0];
	v3 =	vsel vm0, $0x3F800000, v0  }
0x6c: {  	vm0 =	vge.f32 v6, v1;
	v2 =	vadd.f32 v3, v2  }
0x6d: {  	v3 =	vsel vm0, $0x3F800000, v0  }
0x6e: {  	v6 =	vld [tilespmem:s18+$0xC0];
	vm0 =	vge.f32 v5, v1;
	v2 =	vadd.f32 v3, v2  }
0x6f: {  	v3 =	vsel vm0, $0x3F800000, v0  }
0x70: {  	v5 =	vld [tilespmem:s18+$0xD0];
	vm0 =	vge.f32 v4, v1;
	v2 =	vadd.f32 v3, v2  }
0x71: {  	v3 =	vsel vm0, $0x3F800000, v0  }
0x72: {  	v4 =	vadd.f32 v3, v2;
	v3 =	vld [tilespmem:s18+$0xE0]  }
0x73: {  	vm0 =	vge.f32 v6, v1  }
0x74: {  	v6 =	vsel vm0, $0x3F800000, v0;
	v2 =	vld [tilespmem:s18+$0xF0]  }
0x75: {  	s19 =	simm.s32 $0x800;
	vm0 =	vge.f32 v5, v1;
	s18 =	simm.s32 $0x100;
	v4 =	vadd.f32 v6, v4  }
.LBB2_5:
0x76: {  	p0 =	sne.s32 s19, $0x8800;
	v5 =	vld [tilespmem:s18+$0x0];
	v6 =	vsel vm0, $0x3F800000, v0  }
0x77: {  	v4 =	vadd.f32 v6, v4;
	vm0 =	vge.f32 v3, v1  }
0x78: {  	v3 =	vld [tilespmem:s18+$0x10];
	v6 =	vsel vm0, $0x3F800000, v0  }
0x79: {  	v4 =	vadd.f32 v6, v4;
	vm0 =	vge.f32 v2, v1  }
0x7a: {  	v2 =	vld [tilespmem:s18+$0x20];
	v6 =	vsel vm0, $0x3F800000, v0  }
0x7b: {  	vm0 =	vge.f32 v5, v1;
	v4 =	vadd.f32 v6, v4  }
0x7c: {  	v5 =	vsel vm0, $0x3F800000, v0;
	v6 =	vld [tilespmem:s18+$0x30]  }
0x7d: {  	v4 =	vadd.f32 v5, v4;
	vm0 =	vge.f32 v3, v1  }
0x7e: {  	v3 =	vsel vm0, $0x3F800000, v0;
	v5 =	vld [tilespmem:s18+$0x40]  }
0x7f: {  	v3 =	vadd.f32 v3, v4;
	vm0 =	vge.f32 v2, v1  }
0x80: {  	v2 =	vsel vm0, $0x3F800000, v0;
	v4 =	vld [tilespmem:s18+$0x50]  }
0x81: {  	v2 =	vadd.f32 v2, v3;
	vm0 =	vge.f32 v6, v1  }
0x82: {  	v3 =	vsel vm0, $0x3F800000, v0;
	v6 =	vld [tilespmem:s18+$0x60]  }
0x83: {  	v2 =	vadd.f32 v3, v2;
	vm0 =	vge.f32 v5, v1  }
0x84: {  	v3 =	vsel vm0, $0x3F800000, v0;
	v5 =	vld [tilespmem:s18+$0x70]  }
0x85: {  	v2 =	vadd.f32 v3, v2;
	vm0 =	vge.f32 v4, v1  }
0x86: {  	v3 =	vsel vm0, $0x3F800000, v0;
	v4 =	vld [tilespmem:s18+$0x80]  }
0x87: {  	v2 =	vadd.f32 v3, v2;
	vm0 =	vge.f32 v6, v1  }
0x88: {  	v3 =	vsel vm0, $0x3F800000, v0;
	v6 =	vld [tilespmem:s18+$0x90]  }
0x89: {  	v2 =	vadd.f32 v3, v2;
	vm0 =	vge.f32 v5, v1  }
0x8a: {  	v3 =	vsel vm0, $0x3F800000, v0;
	v5 =	vld [tilespmem:s18+$0xA0]  }
0x8b: {  	v2 =	vadd.f32 v3, v2;
	vm0 =	vge.f32 v4, v1  }
0x8c: {  	v3 =	vsel vm0, $0x3F800000, v0;
	v4 =	vld [tilespmem:s18+$0xB0]  }
0x8d: {  	v2 =	vadd.f32 v3, v2;
	vm0 =	vge.f32 v6, v1  }
0x8e: {  	v3 =	vsel vm0, $0x3F800000, v0;
	v6 =	vld [tilespmem:s18+$0xC0]  }
0x8f: {  	v2 =	vadd.f32 v3, v2;
	vm0 =	vge.f32 v5, v1  }
0x90: {  	v3 =	vsel vm0, $0x3F800000, v0;
	v5 =	vld [tilespmem:s18+$0xD0]  }
.Ltmp1:
0x91: {  	v2 =	vadd.f32 v3, v2;
	vm0 =	vge.f32 v4, v1;
	(pc) =	sbr.rel @p0 .LBB2_5-.Ltmp1, $4  }
0x92: {  	v4 =	vsel vm0, $0x3F800000, v0;
	v3 =	vld [tilespmem:s18+$0xE0]  }
0x93: {  	v4 =	vadd.f32 v4, v2;
	vm0 =	vge.f32 v6, v1  }
0x94: {  	v6 =	vsel vm0, $0x3F800000, v0;
	v2 =	vld [tilespmem:s18+$0xF0]  }
0x95: {  	s18 =	sshra.s32 s19, $0x2;
	s19 =	sadd.s32 $0x400, s19;
	v4 =	vadd.f32 v6, v4;
	vm0 =	vge.f32 v5, v1  }
0x96: {  	v5 =	vld [tilespmem:s18+$0x0];
	v6 =	vsel vm0, $0x3F800000, v0  }
0x97: {  	v4 =	vadd.f32 v6, v4;
	vm10 =	vge.f32 v3, v1  }
0x98: {  	v3 =	vld [tilespmem:s18+$0x10];
	v49 =	vsel vm10, $0x3F800000, v0  }
0x99: {  	v4 =	vadd.f32 v49, v4;
	vm11 =	vge.f32 v2, v1  }
0x9a: {  	v2 =	vld [tilespmem:s18+$0x20];
	v50 =	vsel vm11, $0x3F800000, v0  }
0x9b: {  	vm12 =	vge.f32 v5, v1;
	v4 =	vadd.f32 v50, v4  }
0x9c: {  	v51 =	vld [tilespmem:s18+$0x30];
	v5 =	vsel vm12, $0x3F800000, v0  }
0x9d: {  	vm13 =	vge.f32 v3, v1;
	v4 =	vadd.f32 v5, v4  }
0x9e: {  	v52 =	vld [tilespmem:s18+$0x40];
	v3 =	vsel vm13, $0x3F800000, v0  }
0x9f: {  	vm14 =	vge.f32 v2, v1;
	v3 =	vadd.f32 v3, v4  }
0xa0: {  	v53 =	vld [tilespmem:s18+$0x50];
	v2 =	vsel vm14, $0x3F800000, v0  }
0xa1: {  	vm15 =	vge.f32 v51, v1;
	v2 =	vadd.f32 v2, v3  }
0xa2: {  	v54 =	vld [tilespmem:s18+$0x60];
	v3 =	vsel vm15, $0x3F800000, v0  }
0xa3: {  	vm4 =	vge.f32 v52, v1;
	v2 =	vadd.f32 v3, v2  }
0xa4: {  	v55 =	vld [tilespmem:s18+$0x70];
	v3 =	vsel vm4, $0x3F800000, v0  }
0xa5: {  	vm5 =	vge.f32 v53, v1;
	v2 =	vadd.f32 v3, v2  }
0xa6: {  	v56 =	vld [tilespmem:s18+$0x80];
	v3 =	vsel vm5, $0x3F800000, v0  }
0xa7: {  	vm6 =	vge.f32 v54, v1;
	v2 =	vadd.f32 v3, v2  }
0xa8: {  	v57 =	vld [tilespmem:s18+$0x90];
	v3 =	vsel vm6, $0x3F800000, v0  }
0xa9: {  	vm7 =	vge.f32 v55, v1;
	v2 =	vadd.f32 v3, v2  }
0xaa: {  	v58 =	vld [tilespmem:s18+$0xA0];
	v3 =	vsel vm7, $0x3F800000, v0  }
0xab: {  	vm8 =	vge.f32 v56, v1;
	v2 =	vadd.f32 v3, v2  }
0xac: {  	v59 =	vld [tilespmem:s18+$0xB0];
	v3 =	vsel vm8, $0x3F800000, v0  }
0xad: {  	vm9 =	vge.f32 v57, v1;
	v2 =	vadd.f32 v3, v2  }
0xae: {  	v60 =	vld [tilespmem:s18+$0xC0];
	v3 =	vsel vm9, $0x3F800000, v0  }
0xaf: {  	vm10 =	vge.f32 v58, v1;
	v2 =	vadd.f32 v3, v2  }
0xb0: {  	v61 =	vld [tilespmem:s18+$0xD0];
	v3 =	vsel vm10, $0x3F800000, v0  }
0xb1: {  	vm11 =	vge.f32 v59, v1;
	v2 =	vadd.f32 v3, v2  }
0xb2: {  	v62 =	vld [tilespmem:s18+$0xE0];
	v3 =	vsel vm11, $0x3F800000, v0  }
0xb3: {  	vm12 =	vge.f32 v60, v1;
	v2 =	vadd.f32 v3, v2  }
0xb4: {  	v63 =	vld [tilespmem:s18+$0xF0];
	v3 =	vsel vm12, $0x3F800000, v0  }
0xb5: {  	vm13 =	vge.f32 v61, v1;
	v2 =	vadd.f32 v3, v2  }
0xb6: {  	v3 =	vsel vm13, $0x3F800000, v0  }
0xb7: {  	vm14 =	vge.f32 v62, v1;
	v2 =	vadd.f32 v3, v2  }
0xb8: {  	v3 =	vsel vm14, $0x3F800000, v0  }
0xb9: {  	vm15 =	vge.f32 v63, v1;
	v2 =	vadd.f32 v3, v2  }
0xba: {  	v1 =	vsel vm15, $0x3F800000, v0  }
0xbb: {  	v1 =	vadd.f32 v1, v2;
	_ =	sdelay $0x1  }
0xbc: {  	(xrf2) =	vadd.scan.msk.f32 $0xffff, v1;
	_ =	sdelay $0x9  }
0xbd: {  	v1, _, _ =	vpop (xrf2)  }
0xbe: {  	(v2sf) =	vpush v1, $0xF;
	_ =	sdelay $0xc  }
0xbf: {  	s15 =	sadd.s32 $0x1, s15  }
0xc0: {  	p1 =	sne.s32 s15, $0x1F  }
.Ltmp2:
0xc1: {  	s31 =	spop (v2sf);
	(pc) =	sbr.rel @p1 .LBB2_4-.Ltmp2, $4  }
0xc2: {  	p0 =	sge.f32 s31, s13  }
0xc3: {  	s18 =	sadd.s32 $0xFFFFFFFF, s17  }
0xc4: {  	s18 =	smov.u32 @p0 s16  }
0xc5: {  	s14 =	smov.u32 @p0 s17;
	s16 =	smov.u32 s18  }
0xc6: {  	s15 =	simm.s32 $0x0  }
0xc7: {  	v1 =	vld [tilespmem:s15+$0xF0]  }
0xc8: {  	v2 =	vld [tilespmem:s15+$0xE0]  }
0xc9: {  	v3 =	vld [tilespmem:s15+$0xD0]  }
0xca: {  	v4 =	vld [tilespmem:s15+$0xC0]  }
0xcb: {  	v6 =	vld [tilespmem:s15+$0xB0]  }
0xcc: {  	v5 =	vld [tilespmem:s15+$0xA0]  }
0xcd: {  	v7 =	vld [tilespmem:s15+$0x90]  }
0xce: {  	v10 =	vld [tilespmem:s15+$0x80]  }
0xcf: {  	v8 =	vld [tilespmem:s15+$0x70]  }
0xd0: {  	v11 =	vld [tilespmem:s15+$0x60]  }
0xd1: {  	v13 =	vld [tilespmem:s15+$0x50]  }
0xd2: {  	v14 =	vld [tilespmem:s15+$0x40]  }
0xd3: {  	v9 =	vmov s14;
	v15 =	vld [tilespmem:s15+$0x30]  }
0xd4: {  	v9 =	vbroadcast v9, $0x0;
	v16 =	vld [tilespmem:s15+$0x20]  }
0xd5: {  	v19 =	vimm.f32 $0.0e+00;
	s14 =	simm.s32 $0x400;
	v20 =	vimm.f32 $0.0e+00;
	v12 =	vimm.f32 $0.0e+00;
	v17 =	vld [tilespmem:s15+$0x10]  }
.LBB2_8:
0xd6: {  	p0 =	sne.s32 s14, $0x8800;
	v21 =	vld [tilespmem:s15+$0x0];
	vm0 =	vgt.f32 v1, v9  }
0xd7: {  	vm3 =	vgt.f32 v4, v9;
	vm2 =	vgt.f32 v3, v9;
	vm1 =	vgt.f32 v2, v9  }
0xd8: {  	vm6 =	vgt.f32 v7, v9;
	vm5 =	vgt.f32 v5, v9;
	vm4 =	vgt.f32 v6, v9  }
0xd9: {  	vm10 =	vgt.f32 v11, v9;
	vm8 =	vgt.f32 v8, v9;
	vm7 =	vgt.f32 v10, v9  }
0xda: {  	vm15 =	vgt.f32 v13, v9;
	vm14 =	vgt.f32 v14, v9;
	vm12 =	vgt.f32 v15, v9  }
0xdb: {  	vm13 =	vgt.f32 v16, v9;
	vm11 =	vgt.f32 v17, v9;
	vm9 =	vgt.f32 v21, v9  }
0xdc: {  	v18 =	vnsel vm0, $0x0, v1;
	v22 =	vnsel vm9, $0x0, v21;
	v23 =	vsel vm9, $0x3F800000, v0  }
0xdd: {  	v22 =	vadd.f32 v22, v19;
	v20 =	vadd.f32 v23, v20;
	v19 =	vsel vm1, $0x0, v2  }
0xde: {  	v25 =	vsel vm2, $0x0, v3;
	v24 =	vsel vm11, $0x3F800000, v0;
	v23 =	vnsel vm11, $0x0, v17  }
0xdf: {  	v22 =	vadd.f32 v23, v22;
	v20 =	vadd.f32 v24, v20;
	v23 =	vsel vm3, $0x0, v4  }
0xe0: {  	v27 =	vsel vm4, $0x0, v6;
	v26 =	vsel vm13, $0x3F800000, v0;
	v24 =	vnsel vm13, $0x0, v16  }
0xe1: {  	v22 =	vadd.f32 v24, v22;
	v20 =	vadd.f32 v26, v20;
	v24 =	vsel vm5, $0x0, v5  }
0xe2: {  	v29 =	vsel vm6, $0x0, v7;
	v28 =	vsel vm12, $0x3F800000, v0;
	v26 =	vnsel vm12, $0x0, v15  }
0xe3: {  	v22 =	vadd.f32 v26, v22;
	v20 =	vadd.f32 v28, v20;
	v26 =	vsel vm7, $0x0, v10  }
0xe4: {  	v31 =	vsel vm8, $0x0, v8;
	v30 =	vsel vm14, $0x3F800000, v0;
	v28 =	vnsel vm14, $0x0, v14  }
0xe5: {  	v22 =	vadd.f32 v28, v22;
	v20 =	vadd.f32 v30, v20;
	v28 =	vsel vm10, $0x0, v11  }
0xe6: {  	v32 =	vsel vm15, $0x3F800000, v0;
	v30 =	vnsel vm15, $0x0, v13;
	v13 =	vsel vm15, $0x0, v13  }
0xe7: {  	v14 =	vsel vm14, $0x0, v14;
	v22 =	vadd.f32 v30, v22;
	v20 =	vadd.f32 v32, v20  }
0xe8: {  	v15 =	vsel vm12, $0x0, v15;
	v11 =	vnsel vm10, $0x0, v11;
	v30 =	vsel vm10, $0x3F800000, v0  }
0xe9: {  	v16 =	vsel vm13, $0x0, v16;
	v11 =	vadd.f32 v11, v22;
	v20 =	vadd.f32 v30, v20  }
0xea: {  	v8 =	vnsel vm8, $0x0, v8;
	v17 =	vsel vm11, $0x0, v17;
	v22 =	vsel vm8, $0x3F800000, v0  }
0xeb: {  	v21 =	vsel vm9, $0x0, v21;
	v8 =	vadd.f32 v8, v11;
	v11 =	vadd.f32 v22, v20  }
0xec: {  	s15 =	sshra.s32 s14, $0x2;
	v12 =	vmax.f32 v12, v21;
	v10 =	vnsel vm7, $0x0, v10;
	v20 =	vsel vm7, $0x3F800000, v0  }
0xed: {  	v12 =	vmax.f32 v12, v17;
	v21 =	vld [tilespmem:s15+$0xF0];
	v8 =	vadd.f32 v10, v8;
	v10 =	vadd.f32 v20, v11  }
0xee: {  	v7 =	vnsel vm6, $0x0, v7;
	v11 =	vmax.f32 v12, v16;
	v12 =	vsel vm6, $0x3F800000, v0;
	v17 =	vld [tilespmem:s15+$0xE0]  }
0xef: {  	v11 =	vmax.f32 v11, v15;
	v16 =	vld [tilespmem:s15+$0xD0];
	v7 =	vadd.f32 v7, v8;
	v8 =	vadd.f32 v12, v10  }
0xf0: {  	v5 =	vnsel vm5, $0x0, v5;
	v10 =	vmax.f32 v11, v14;
	v11 =	vsel vm5, $0x3F800000, v0;
	v12 =	vld [tilespmem:s15+$0xC0]  }
0xf1: {  	v10 =	vmax.f32 v10, v13;
	v14 =	vld [tilespmem:s15+$0xB0];
	v13 =	vadd.f32 v5, v7;
	v8 =	vadd.f32 v11, v8  }
0xf2: {  	v6 =	vnsel vm4, $0x0, v6;
	v10 =	vmax.f32 v10, v28;
	v11 =	vsel vm4, $0x3F800000, v0;
	v5 =	vld [tilespmem:s15+$0xA0]  }
0xf3: {  	v15 =	vmax.f32 v10, v31;
	v7 =	vld [tilespmem:s15+$0x90];
	v28 =	vadd.f32 v6, v13;
	v11 =	vadd.f32 v11, v8  }
0xf4: {  	v22 =	vnsel vm3, $0x0, v4;
	v13 =	vmax.f32 v15, v26;
	v15 =	vsel vm3, $0x3F800000, v0;
	v10 =	vld [tilespmem:s15+$0x80]  }
0xf5: {  	v13 =	vmax.f32 v13, v29;
	v8 =	vld [tilespmem:s15+$0x70];
	v20 =	vadd.f32 v22, v28;
	v15 =	vadd.f32 v15, v11;
	v4 =	vmovc v12  }
0xf6: {  	v12 =	vmax.f32 v13, v24;
	v22 =	vnsel vm2, $0x0, v3;
	v24 =	vsel vm2, $0x3F800000, v0;
	v3 =	vmovc v16;
	v11 =	vld [tilespmem:s15+$0x60];
	v6 =	vmovc v14  }
.Ltmp3:
0xf7: {  	v12 =	vmax.f32 v12, v27;
	v13 =	vld [tilespmem:s15+$0x50];
	v16 =	vadd.f32 v22, v20;
	v20 =	vadd.f32 v24, v15;
	(pc) =	sbr.rel @p0 .LBB2_8-.Ltmp3, $4  }
0xf8: {  	v12 =	vmax.f32 v12, v23;
	v22 =	vnsel vm1, $0x0, v2;
	v23 =	vsel vm1, $0x3F800000, v0;
	v2 =	vmovc v17;
	v14 =	vld [tilespmem:s15+$0x40]  }
0xf9: {  	v12 =	vmax.f32 v12, v25;
	v15 =	vld [tilespmem:s15+$0x30];
	v22 =	vadd.f32 v22, v16;
	v20 =	vadd.f32 v23, v20  }
0xfa: {  	v24 =	vsel vm0, $0x0, v1;
	v1 =	vmovc v21;
	v12 =	vmax.f32 v12, v19;
	v23 =	vsel vm0, $0x3F800000, v0;
	v16 =	vld [tilespmem:s15+$0x20]  }
0xfb: {  	s14 =	sadd.s32 $0x400, s14;
	v12 =	vmax.f32 v12, v24;
	v17 =	vld [tilespmem:s15+$0x10];
	v19 =	vadd.f32 v18, v22;
	v20 =	vadd.f32 v23, v20  }
0xfc: {  	v18 =	vld [tilespmem:s15+$0x0];
	_ =	sdelay $0x4  }
0xfd: {  	vm6 =	vgt.f32 v18, v9  }
0xfe: {  	vm0 =	vgt.f32 v1, v9;
	v21 =	vnsel vm6, $0x0, v18  }
0xff: {  	vm8 =	vgt.f32 v17, v9;
	v22 =	vsel vm6, $0x3F800000, v0;
	v19 =	vadd.f32 v21, v19  }
0x100: {  	vm1 =	vgt.f32 v4, v9;
	v61 =	vnsel vm8, $0x0, v17;
	v20 =	vadd.f32 v22, v20  }
0x101: {  	vm9 =	vgt.f32 v16, v9;
	v62 =	vsel vm8, $0x3F800000, v0;
	v19 =	vadd.f32 v61, v19  }
0x102: {  	vm2 =	vgt.f32 v3, v9;
	v63 =	vnsel vm9, $0x0, v16;
	v20 =	vadd.f32 v62, v20  }
0x103: {  	vm11 =	vgt.f32 v15, v9;
	v24 =	vsel vm9, $0x3F800000, v0;
	v19 =	vadd.f32 v63, v19  }
0x104: {  	vm3 =	vgt.f32 v2, v9;
	v25 =	vnsel vm11, $0x0, v15;
	v20 =	vadd.f32 v24, v20  }
0x105: {  	vm12 =	vgt.f32 v14, v9;
	v26 =	vsel vm11, $0x3F800000, v0;
	v19 =	vadd.f32 v25, v19  }
0x106: {  	vm4 =	vgt.f32 v7, v9;
	v27 =	vnsel vm12, $0x0, v14;
	v20 =	vadd.f32 v26, v20  }
0x107: {  	vm13 =	vgt.f32 v13, v9;
	v28 =	vsel vm12, $0x3F800000, v0;
	v19 =	vadd.f32 v27, v19  }
0x108: {  	vm5 =	vgt.f32 v5, v9;
	v29 =	vnsel vm13, $0x0, v13;
	v20 =	vadd.f32 v28, v20  }
0x109: {  	vm14 =	vgt.f32 v11, v9;
	v30 =	vsel vm13, $0x3F800000, v0;
	v19 =	vadd.f32 v29, v19  }
0x10a: {  	vm7 =	vgt.f32 v6, v9;
	v31 =	vnsel vm14, $0x0, v11;
	v20 =	vadd.f32 v30, v20  }
0x10b: {  	vm10 =	vgt.f32 v8, v9;
	v32 =	vsel vm14, $0x3F800000, v0;
	v19 =	vadd.f32 v31, v19  }
0x10c: {  	vm15 =	vgt.f32 v10, v9;
	v34 =	vnsel vm10, $0x0, v8;
	v33 =	vadd.f32 v32, v20  }
0x10d: {  	v35 =	vnsel vm0, $0x0, v1;
	v36 =	vsel vm10, $0x3F800000, v0;
	v19 =	vadd.f32 v34, v19  }
0x10e: {  	v37 =	vsel vm15, $0x0, v10;
	v38 =	vnsel vm15, $0x0, v10;
	v9 =	vadd.f32 v36, v33  }
0x10f: {  	v39 =	vsel vm14, $0x0, v11;
	v40 =	vsel vm15, $0x3F800000, v0;
	v10 =	vadd.f32 v38, v19  }
0x110: {  	v41 =	vsel vm13, $0x0, v13;
	v42 =	vnsel vm4, $0x0, v7;
	v9 =	vadd.f32 v40, v9  }
0x111: {  	v44 =	vsel vm4, $0x3F800000, v0;
	v46 =	vnsel vm5, $0x0, v5;
	v10 =	vadd.f32 v42, v10  }
0x112: {  	v48 =	vsel vm5, $0x3F800000, v0;
	v50 =	vnsel vm7, $0x0, v6;
	v9 =	vadd.f32 v44, v9  }
0x113: {  	v51 =	vsel vm7, $0x3F800000, v0;
	v52 =	vnsel vm1, $0x0, v4;
	v10 =	vadd.f32 v46, v10  }
0x114: {  	v53 =	vsel vm1, $0x3F800000, v0;
	v54 =	vnsel vm2, $0x0, v3;
	v9 =	vadd.f32 v48, v9  }
0x115: {  	v55 =	vsel vm2, $0x3F800000, v0;
	v18 =	vsel vm6, $0x0, v18;
	v10 =	vadd.f32 v50, v10  }
0x116: {  	v49 =	vsel vm8, $0x0, v17;
	v12 =	vmax.f32 v12, v18;
	v9 =	vadd.f32 v51, v9  }
0x117: {  	v47 =	vsel vm9, $0x0, v16;
	v12 =	vmax.f32 v12, v49;
	v10 =	vadd.f32 v52, v10  }
0x118: {  	v45 =	vsel vm11, $0x0, v15;
	v12 =	vmax.f32 v12, v47;
	v9 =	vadd.f32 v53, v9  }
0x119: {  	v43 =	vsel vm12, $0x0, v14;
	v12 =	vmax.f32 v12, v45;
	v10 =	vadd.f32 v54, v10  }
0x11a: {  	v56 =	vnsel vm3, $0x0, v2;
	v12 =	vmax.f32 v12, v43;
	v9 =	vadd.f32 v55, v9  }
0x11b: {  	v57 =	vsel vm3, $0x3F800000, v0;
	v12 =	vmax.f32 v12, v41;
	v10 =	vadd.f32 v56, v10  }
0x11c: {  	v58 =	vsel vm10, $0x0, v8;
	v11 =	vmax.f32 v12, v39;
	v9 =	vadd.f32 v57, v9  }
0x11d: {  	v59 =	vsel vm0, $0x3F800000, v0;
	v8 =	vmax.f32 v11, v58;
	v10 =	vadd.f32 v35, v10  }
0x11e: {  	v60 =	vsel vm4, $0x0, v7;
	v8 =	vmax.f32 v8, v37;
	v9 =	vadd.f32 v59, v9  }
0x11f: {  	v61 =	vsel vm5, $0x0, v5;
	v7 =	vmax.f32 v8, v60;
	(xrf2) =	vadd.scan.msk.f32 $0xffff, v10  }
0x120: {  	v62 =	vsel vm7, $0x0, v6;
	v5 =	vmax.f32 v7, v61;
	(xrf2) =	vadd.scan.msk.f32 $0xffff, v9  }
0x121: {  	v63 =	vsel vm1, $0x0, v4;
	v5 =	vmax.f32 v5, v62  }
0x122: {  	v3 =	vsel vm2, $0x0, v3;
	v4 =	vmax.f32 v5, v63  }
0x123: {  	v2 =	vsel vm3, $0x0, v2;
	v3 =	vmax.f32 v4, v3  }
0x124: {  	v1 =	vsel vm0, $0x0, v1;
	v2 =	vmax.f32 v3, v2  }
0x125: {  	v1 =	vmax.f32 v2, v1  }
0x126: {  	(xrf0) =	vmax.scan.msk.f32 $0xffff, v1;
	_ =	sdelay $0x2  }
0x127: {  	v1, _, _ =	vpop (xrf2)  }
0x128: {  	(v2sf) =	vpush v1, $0xF;
	v1, _, _ =	vpop (xrf2)  }
0x129: {  	(v2sf) =	vpush v1, $0xF  }
0x12a: {  	v1, _, _ =	vpop (xrf0)  }
0x12b: {  	(v2sf) =	vpush v1, $0xF;
	_ =	sdelay $0xb  }
0x12c: {  	s14 =	spop (v2sf)  }
0x12d: {  	s30 =	spop (v2sf)  }
0x12e: {  	s13 =	ssub.f32 s13, s30  }
0x12f: {  	s31 =	spop (v2sf)  }
0x130: {  	s13 =	smul.f32 s31, s13;
	_ =	sdelay $0x1  }
0x131: {  	s13 =	sadd.f32 s13, s14  }
0x132: {  	s12 =	sadd.s32 $0x1, s12  }
0x133: {  	p0 =	sne.s32 s12, s6;
	v1 =	vmov s13  }
.Ltmp4:
0x134: {  	[tilespmem:$0x2380] =	vst v1;
	(pc) =	sbr.rel @p0 .LBB2_1-.Ltmp4, $4  }
0x135: {  	[hbm4b:s5+s2] =	stream.linear.scatter [tilespmem:s11], [sflag:$0x1], $0x80, $0x38;
	[tilespmem:$0x2400] =	vst v63  }
0x136: {  	_ =	swait.ge [sflag:s9], $0x80  }
0x137: {  	[sflag:s9] =	ssyncset.done $0x0  }
0x138: {  	[sflag:s9] =	ssyncadd.s32 $0xFFFFFF80  }
0x139: {  	_ =	sfence.sel $0x180000  }
0x13a: {  	[bflag:$0x0] =	sbarrier.arrive $0xFFFF  }
0x13b: {  	p0 =	sne.s32 s1, $0x0;
	_ =	strace $0x90000047  }
0x13c: {  	s0 =	sadd.s32 @!p0 $0x100000, s0;
	[bflag:$0x2] =	sbarrier.arrive $0xFFFF  }
0x13d: {  	[sflag:s0] =	ssyncadd.tile.s32 @!p0 $0x1;
	_ =	shalt  }
.Lfunc_end2:
_tile_overlayer_lowered:
.L_overlay_start_2:
0x13e: {  	(tag) =	ssettag $0x2  }
0x13f: {  	s0 =	rddreg [dreg:$0x0];
	s2 =	stileid.u32  }
0x140: {  	s1 =	rddreg [dreg:$0x1];
	p0 =	sne.s32 s2, $0x0  }
0x141: {  	s3 =	rddreg [dreg:$0x2];
	[bflag:$0x3] =	sbarrier.arrive $0xFFFF;
	s2 =	simm.s32 @!p0 $0x1C01  }
0x142: {  	[timem:s3], [sflag:s2] =	dma.local @!p0 [hbm:s0], s1  }
0x143: {  	s0 =	simm.s32 @!p0 $0x1  }
0x144: {  	_ =	swait.ge @!p0 [sflag:s0], s1  }
0x145: {  	s1 =	ssub.s32 @!p0 $0x0, s1;
	[sflag:s0] =	ssyncset.done @!p0 $0x0  }
0x146: {  	[sflag:s0] =	ssyncadd.s32 @!p0 s1  }
0x147: {  	[bflag:$0x3] =	sbarrier.arrive $0xFFFF  }
0x148: {  	_ =	shalt  }

</sc_bundles>
